<compile_context>
chip_gen: v7x
topology: tpu7x:2x2x1
jax: 0.10.2.dev20260603
libtpu: 0.0.44.dev20260713+nightly
codegen_flags: <defaults>
</compile_context>

<pallas_src>
import dataclasses
import functools

import jax
import jax.numpy as jnp
from jax import lax
from jax.experimental import pallas as pl
from jax.experimental.pallas import tpu as pltpu
from jax.experimental.pallas import tpu_sc as plsc

NC = 2
NS = 16
NW = NC * NS
LANES = 16

_mesh = functools.partial(
    plsc.VectorSubcoreMesh, core_axis_name="c", subcore_axis_name="s"
)


def _sc_params():
    cp = pltpu.CompilerParams()
    if "needs_layout_passes" in pltpu.CompilerParams.__dataclass_fields__:
        cp = dataclasses.replace(cp, needs_layout_passes=False)
    return cp


def _wid():
    return lax.axis_index("c") * NS + lax.axis_index("s")


def _zero_ref(ref, n):
    z = jnp.zeros((LANES,), jnp.float32)

    @plsc.parallel_loop(0, n, step=LANES, unroll=2)
    def _(i):
        ref[pl.ds(i, LANES)] = z


def _sc_degree(src, dst, w, n):
    e = src.shape[0]
    epw = e // NW

    @functools.partial(
        pl.kernel,
        out_type=jax.ShapeDtypeStruct((NW, n), jnp.float32),
        mesh=_mesh(),
        compiler_params=_sc_params(),
        scratch_types=[
            pltpu.VMEM((epw,), jnp.int32),
            pltpu.VMEM((epw,), jnp.int32),
            pltpu.VMEM((epw,), jnp.float32),
            pltpu.VMEM((n,), jnp.float32),
        ],
    )
    def k(src_hbm, dst_hbm, w_hbm, out_hbm, sb, db, wb, deg):
        wid = _wid()
        base = wid * epw
        pltpu.sync_copy(src_hbm.at[pl.ds(base, epw)], sb)
        pltpu.sync_copy(dst_hbm.at[pl.ds(base, epw)], db)
        pltpu.sync_copy(w_hbm.at[pl.ds(base, epw)], wb)
        _zero_ref(deg, n)

        @plsc.parallel_loop(0, epw, step=LANES, unroll=2)
        def _(i):
            s = sb[pl.ds(i, LANES)]
            d = db[pl.ds(i, LANES)]
            wv = wb[pl.ds(i, LANES)]
            wz = jnp.where(s == d, 0.0, wv)
            plsc.addupdate_scatter(deg, [s], wz)

        pltpu.sync_copy(deg, out_hbm.at[wid])

    return k(src, dst, w)


def _sc_wnorm(src, dst, w, dinv):
    e = src.shape[0]
    n = dinv.shape[0]
    epw = e // NW

    @functools.partial(
        pl.kernel,
        out_type=jax.ShapeDtypeStruct((e,), jnp.float32),
        mesh=_mesh(),
        compiler_params=_sc_params(),
        scratch_types=[
            pltpu.VMEM((epw,), jnp.int32),
            pltpu.VMEM((epw,), jnp.int32),
            pltpu.VMEM((epw,), jnp.float32),
            pltpu.VMEM((epw,), jnp.float32),
            pltpu.VMEM((n,), jnp.float32),
        ],
    )
    def k(src_hbm, dst_hbm, w_hbm, dinv_hbm, out_hbm, sb, db, wb, ob, dv):
        wid = _wid()
        base = wid * epw
        pltpu.sync_copy(src_hbm.at[pl.ds(base, epw)], sb)
        pltpu.sync_copy(dst_hbm.at[pl.ds(base, epw)], db)
        pltpu.sync_copy(w_hbm.at[pl.ds(base, epw)], wb)
        pltpu.sync_copy(dinv_hbm, dv)

        @plsc.parallel_loop(0, epw, step=LANES, unroll=2)
        def _(i):
            s = sb[pl.ds(i, LANES)]
            d = db[pl.ds(i, LANES)]
            wv = wb[pl.ds(i, LANES)]
            wz = jnp.where(s == d, 0.0, wv)
            g1 = plsc.load_gather(dv, [s])
            g2 = plsc.load_gather(dv, [d])
            ob[pl.ds(i, LANES)] = g1 * wz * g2

        pltpu.sync_copy(ob, out_hbm.at[pl.ds(base, epw)])

    return k(src, dst, w, dinv)


def _sc_spmm2(xT, src, dst, wn, chunk=4000):
    d, n = xT.shape
    e = src.shape[0]
    cpw = d // NW

    out_t = jax.ShapeDtypeStruct((d, n), jnp.float32)
    col = pltpu.VMEM((n,), jnp.float32)

    nch = e // chunk
    assert nch % 2 == 0

    ibuf = pltpu.VMEM((chunk,), jnp.int32)
    fbuf = pltpu.VMEM((chunk,), jnp.float32)

    @functools.partial(
        pl.kernel,
        out_type=[out_t, out_t],
        mesh=_mesh(),
        compiler_params=_sc_params(),
        scratch_types=[
            [col] * cpw,
            [col] * cpw,
            [[ibuf, ibuf, fbuf] for _ in range(2)],
            [pltpu.SemaphoreType.DMA for _ in range(2)],
        ],
    )
    def k(xT_hbm, src_hbm, dst_hbm, wn_hbm, s1_hbm, s2_hbm, xc, ac, ebuf, sems):
        wid = _wid()
        row = wid * cpw
        for c in range(cpw):
            pltpu.sync_copy(xT_hbm.at[row + c], xc[c])
            _zero_ref(ac[c], n)

        def start(slot, ch):
            for hbm, buf in zip((src_hbm, dst_hbm, wn_hbm), ebuf[slot]):
                pltpu.async_copy(hbm.at[pl.ds(ch, chunk)], buf, sems[slot])

        def wait(slot):
            for hbm, buf in zip((src_hbm, dst_hbm, wn_hbm), ebuf[slot]):
                pltpu.make_async_copy(hbm.at[pl.ds(0, chunk)], buf,
                                      sems[slot]).wait()

        def compute(slot, gsrc, gdst):
            sb, db, wb = ebuf[slot]

            @plsc.parallel_loop(0, chunk, step=LANES, unroll=2)
            def _(i):
                s = sb[pl.ds(i, LANES)]
                dt = db[pl.ds(i, LANES)]
                wv = wb[pl.ds(i, LANES)]
                for c in range(cpw):
                    g = plsc.load_gather(gsrc[c], [s])
                    plsc.addupdate_scatter(gdst[c], [dt], wv * g)

        last = (nch - 1) * chunk

        def spmm(gsrc, gdst):
            start(0, 0)

            @pl.loop(0, nch, step=2)
            def _(ci):
                b = ci * chunk
                start(1, b + chunk)
                wait(0)
                compute(0, gsrc, gdst)
                start(0, jnp.minimum(b + 2 * chunk, last))
                wait(1)
                compute(1, gsrc, gdst)

            wait(0)

        spmm(xc, ac)
        for c in range(cpw):
            pltpu.sync_copy(ac[c], s1_hbm.at[row + c])
            _zero_ref(xc[c], n)
        spmm(ac, xc)
        for c in range(cpw):
            pltpu.sync_copy(xc[c], s2_hbm.at[row + c])

    return k(xT, src, dst, wn)


def _tc_cheb_out(x, s1T, s2T, W, b, blk=2048):
    n, din = x.shape
    dout = W.shape[2]
    hp = jax.lax.Precision.HIGHEST

    def body(x_ref, s1_ref, s2_ref, w_ref, b_ref, o_ref):
        wa = w_ref[0] - w_ref[2]
        acc = jnp.dot(x_ref[...], wa, preferred_element_type=jnp.float32,
                      precision=hp)
        acc -= lax.dot_general(
            s1_ref[...], w_ref[1], (((0,), (0,)), ((), ())),
            preferred_element_type=jnp.float32, precision=hp)
        acc += 2.0 * lax.dot_general(
            s2_ref[...], w_ref[2], (((0,), (0,)), ((), ())),
            preferred_element_type=jnp.float32, precision=hp)
        o_ref[...] = acc + b_ref[...]

    grid = (pl.cdiv(n, blk),)
    return pl.pallas_call(
        body,
        grid=grid,
        in_specs=[
            pl.BlockSpec((blk, din), lambda i: (i, 0)),
            pl.BlockSpec((din, blk), lambda i: (0, i)),
            pl.BlockSpec((din, blk), lambda i: (0, i)),
            pl.BlockSpec(W.shape, lambda i: (0, 0, 0)),
            pl.BlockSpec((1, dout), lambda i: (0, 0)),
        ],
        out_specs=pl.BlockSpec((blk, dout), lambda i: (i, 0)),
        out_shape=jax.ShapeDtypeStruct((n, dout), jnp.float32),
    )(x, s1T, s2T, W, b.reshape(1, dout))


def kernel(x, edge_index, edge_weight, W, b):
    n = x.shape[0]
    src = edge_index[0]
    dst = edge_index[1]

    deg_part = _sc_degree(src, dst, edge_weight, n)
    deg = jnp.sum(deg_part, axis=0)
    dinv = jnp.where(deg > 0, lax.rsqrt(jnp.where(deg > 0, deg, 1.0)), 0.0)

    wn = _sc_wnorm(src, dst, edge_weight, dinv)

    xT = x.T
    s1T, s2T = _sc_spmm2(xT, src, dst, wn)

    return _tc_cheb_out(x, s1T, s2T, W, b)

# --- scband reference (transcript-rebuilt; emitter-appended) ---
"""Pipeline reference for scband-spectral-convolution-32744830665389 (READ-ONLY COPY).

The authoritative reference and input builder live on the scoring server;
editing this copy changes nothing except your own understanding.
"""

import jax, jax.numpy as jnp
import numpy as np

N = 10000
E = 320000
D_IN = 128
D_OUT = 128
K = 3


def setup_inputs(seed: int = 0):
    key = jax.random.key(seed)
    k1, k2, k3, k4 = jax.random.split(key, 4)
    x = jax.random.normal(k1, (N, D_IN), dtype=jnp.float32)
    edge_index = jax.random.randint(k2, (2, E), 0, N, dtype=jnp.int32)
    edge_weight = jax.random.uniform(k3, (E,), dtype=jnp.float32)
    W = jax.random.normal(k4, (K, D_IN, D_OUT), dtype=jnp.float32) * (1.0 / np.sqrt(D_IN))
    b = jnp.zeros((D_OUT,), dtype=jnp.float32)
    return {"x": x, "edge_index": edge_index, "edge_weight": edge_weight, "W": W, "b": b}


def _cheb_forward(x, edge_weight, W, b, edge_index, lambda_max=2.0):
    # Faithful PyG ChebConv semantics with normalization='sym' and lambda_max defaulting to 2.0:
    #   L = I - D^{-1/2} A D^{-1/2}; Lhat = (2/lambda_max) * L - I
    #   T_0(Lhat) x = x; T_1 = Lhat x; T_k = 2 Lhat T_{k-1} - T_{k-2}
    #   out = sum_k T_k(Lhat) x @ W_k + b
    n = x.shape[0]
    src = edge_index[0]
    dst = edge_index[1]
    # remove self loops (weight -> 0 is equivalent for degree and aggregation)
    w = jnp.where(src == dst, jnp.zeros_like(edge_weight), edge_weight)
    deg = jnp.zeros((n,), dtype=x.dtype).at[src].add(w)
    safe_deg = jnp.where(deg > 0, deg, jnp.ones_like(deg))
    deg_inv_sqrt = jnp.where(deg > 0, 1.0 / jnp.sqrt(safe_deg), jnp.zeros_like(deg))
    w_norm = deg_inv_sqrt[src] * w * deg_inv_sqrt[dst]
    scale = 2.0 / lambda_max

    def lhat(h):
        # S h = D^{-1/2} A D^{-1/2} h : gather from src, scatter-add to dst
        Sh = jnp.zeros_like(h).at[dst].add(w_norm[:, None] * h[src])
        return scale * (h - Sh) - h

    Tx0 = x
    out = Tx0 @ W[0]
    Tx1 = lhat(x)
    out = out + Tx1 @ W[1]
    for k in range(2, K):
        Tx2 = 2.0 * lhat(Tx1) - Tx0
        out = out + Tx2 @ W[k]
        Tx0, Tx1 = Tx1, Tx2
    return out + b


def reference(x, edge_index, edge_weight, W, b):
    return _cheb_forward(x, edge_weight, W, b, edge_index)

if __name__ == "__main__":
    import jax
    _d = setup_inputs()
    print(jax.jit(kernel)(*tuple(_d.values())))

</pallas_src>

<mosaic_0001>
#map = affine_map<(d0, d1) -> (0, 0)>
#map1 = affine_map<(d0, d1) -> (0)>
module attributes {stable_mosaic.version = 14 : i64} {
  func.func @k(%arg0: i32, %arg1: i32, %arg2: memref<128x10000xf32, #tpu.memory_space<hbm>>, %arg3: memref<320000xi32, #tpu.memory_space<hbm>>, %arg4: memref<320000xi32, #tpu.memory_space<hbm>>, %arg5: memref<320000xf32, #tpu.memory_space<hbm>>, %arg6: memref<128x10000xf32, #tpu.memory_space<hbm>>, %arg7: memref<128x10000xf32, #tpu.memory_space<hbm>>, %arg8: memref<10000xf32, #tpu.memory_space<vmem>>, %arg9: memref<10000xf32, #tpu.memory_space<vmem>>, %arg10: memref<10000xf32, #tpu.memory_space<vmem>>, %arg11: memref<10000xf32, #tpu.memory_space<vmem>>, %arg12: memref<10000xf32, #tpu.memory_space<vmem>>, %arg13: memref<10000xf32, #tpu.memory_space<vmem>>, %arg14: memref<10000xf32, #tpu.memory_space<vmem>>, %arg15: memref<10000xf32, #tpu.memory_space<vmem>>, %arg16: memref<4000xi32, #tpu.memory_space<vmem>>, %arg17: memref<4000xi32, #tpu.memory_space<vmem>>, %arg18: memref<4000xf32, #tpu.memory_space<vmem>>, %arg19: memref<4000xi32, #tpu.memory_space<vmem>>, %arg20: memref<4000xi32, #tpu.memory_space<vmem>>, %arg21: memref<4000xf32, #tpu.memory_space<vmem>>, %arg22: memref<!tpu.dma_semaphore, #tpu.memory_space<semaphore_mem>>, %arg23: memref<!tpu.dma_semaphore, #tpu.memory_space<semaphore_mem>>) attributes {dimension_semantics = [#tpu.dimension_semantics<core_parallel>, #tpu.dimension_semantics<subcore_parallel>], iteration_bounds = array<i64: 2, 16>, scalar_prefetch = 0 : i64, scratch_operands = 16 : i64, tpu.core_type = #tpu.core_type<sc_vector_subcore>, window_params = [{transform_indices = #map}, {transform_indices = #map1}, {transform_indices = #map1}, {transform_indices = #map1}, {transform_indices = #map}, {transform_indices = #map}]} {
    %mul3A = arith.constant 16 : i32
    %mul3A_0 = arith.muli %arg0, %mul3A : i32
    %add3A = arith.addi %mul3A_0, %arg1 : i32
    %mul3A_1 = arith.constant 4 : i32
    %mul3A_2 = arith.muli %add3A, %mul3A_1 : i32
    %add3A_3 = arith.constant 0 : i32
    %add3A_4 = arith.addi %mul3A_2, %add3A_3 : i32
    "tpu.region"() ({
      %run_scoped3A = tpu.sem_alloc : memref<!tpu.dma_semaphore, #tpu.memory_space<semaphore_mem>>
      %dma_start3A_120 = arith.constant 0 : i32
      %dma_start3A_121 = tpu.memref_slice %arg2[%add3A_4, %dma_start3A_120] : memref<128x10000xf32, #tpu.memory_space<hbm>> -> memref<1x10000xf32, #tpu.memory_space<hbm>>
      %dma_start3A_122 = tpu.memref_squeeze %dma_start3A_121 : memref<1x10000xf32, #tpu.memory_space<hbm>> -> memref<10000xf32, #tpu.memory_space<hbm>>
      %dma_start3A_123 = arith.constant 0 : i32
      %dma_start3A_124 = tpu.memref_slice %arg2[%add3A_4, %dma_start3A_123] : memref<128x10000xf32, #tpu.memory_space<hbm>> -> memref<1x10000xf32, #tpu.memory_space<hbm>>
      %dma_start3A_125 = tpu.memref_squeeze %dma_start3A_124 : memref<1x10000xf32, #tpu.memory_space<hbm>> -> memref<10000xf32, #tpu.memory_space<hbm>>
      tpu.enqueue_dma source(%dma_start3A_125 : memref<10000xf32, #tpu.memory_space<hbm>>) target(%arg8 : memref<10000xf32, #tpu.memory_space<vmem>>) target_semaphore(%run_scoped3A : memref<!tpu.dma_semaphore, #tpu.memory_space<semaphore_mem>>)
      %dma_wait3A_126 = arith.constant 0 : i32
      %dma_wait3A_127 = tpu.memref_slice %arg2[%add3A_4, %dma_wait3A_126] : memref<128x10000xf32, #tpu.memory_space<hbm>> -> memref<1x10000xf32, #tpu.memory_space<hbm>>
      %dma_wait3A_128 = tpu.memref_squeeze %dma_wait3A_127 : memref<1x10000xf32, #tpu.memory_space<hbm>> -> memref<10000xf32, #tpu.memory_space<hbm>>
      %dma_wait3A_129 = arith.constant 0 : i32
      %dma_wait3A_130 = tpu.memref_slice %arg2[%add3A_4, %dma_wait3A_129] : memref<128x10000xf32, #tpu.memory_space<hbm>> -> memref<1x10000xf32, #tpu.memory_space<hbm>>
      %dma_wait3A_131 = tpu.memref_squeeze %dma_wait3A_130 : memref<1x10000xf32, #tpu.memory_space<hbm>> -> memref<10000xf32, #tpu.memory_space<hbm>>
      tpu.wait_dma2 semaphore(%run_scoped3A : memref<!tpu.dma_semaphore, #tpu.memory_space<semaphore_mem>>) src(%dma_wait3A_131 : memref<10000xf32, #tpu.memory_space<hbm>>) dst(%arg8 : memref<10000xf32, #tpu.memory_space<vmem>>)
      tpu.yield
    }) : () -> ()
    %broadcast_in_dim3A = arith.constant 0.000000e+00 : f32
    %broadcast_in_dim3A_5 = vector.broadcast %broadcast_in_dim3A : f32 to vector<16xf32>
    %parallel_loop3A = arith.constant 0 : i32
    %parallel_loop3A_6 = arith.constant 10000 : i32
    %parallel_loop3A_7 = arith.constant 16 : i32
    scf.for %parallel_loop3A_120 = %parallel_loop3A to %parallel_loop3A_6 step %parallel_loop3A_7  : i32 {
      %parallel_loop3A_121 = arith.index_cast %parallel_loop3A_120 : i32 to index
      %parallel_loop3A_122 = tpu.vector_load %arg12[%parallel_loop3A_121] {strides = array<i32>} : memref<10000xf32, #tpu.memory_space<vmem>>, vector<16xf32>,
      tpu.vector_store %arg12[%parallel_loop3A_121], %broadcast_in_dim3A_5 {strides = array<i32>} : memref<10000xf32, #tpu.memory_space<vmem>>, vector<16xf32>,
    } {sc.loop_unroll_factor = 2 : i64, sc.parallel_access}
    %add3A_8 = arith.constant 1 : i32
    %add3A_9 = arith.addi %mul3A_2, %add3A_8 : i32
    "tpu.region"() ({
      %run_scoped3A = tpu.sem_alloc : memref<!tpu.dma_semaphore, #tpu.memory_space<semaphore_mem>>
      %dma_start3A_120 = arith.constant 0 : i32
      %dma_start3A_121 = tpu.memref_slice %arg2[%add3A_9, %dma_start3A_120] : memref<128x10000xf32, #tpu.memory_space<hbm>> -> memref<1x10000xf32, #tpu.memory_space<hbm>>
      %dma_start3A_122 = tpu.memref_squeeze %dma_start3A_121 : memref<1x10000xf32, #tpu.memory_space<hbm>> -> memref<10000xf32, #tpu.memory_space<hbm>>
      %dma_start3A_123 = arith.constant 0 : i32
      %dma_start3A_124 = tpu.memref_slice %arg2[%add3A_9, %dma_start3A_123] : memref<128x10000xf32, #tpu.memory_space<hbm>> -> memref<1x10000xf32, #tpu.memory_space<hbm>>
      %dma_start3A_125 = tpu.memref_squeeze %dma_start3A_124 : memref<1x10000xf32, #tpu.memory_space<hbm>> -> memref<10000xf32, #tpu.memory_space<hbm>>
      tpu.enqueue_dma source(%dma_start3A_125 : memref<10000xf32, #tpu.memory_space<hbm>>) target(%arg9 : memref<10000xf32, #tpu.memory_space<vmem>>) target_semaphore(%run_scoped3A : memref<!tpu.dma_semaphore, #tpu.memory_space<semaphore_mem>>)
      %dma_wait3A_126 = arith.constant 0 : i32
      %dma_wait3A_127 = tpu.memref_slice %arg2[%add3A_9, %dma_wait3A_126] : memref<128x10000xf32, #tpu.memory_space<hbm>> -> memref<1x10000xf32, #tpu.memory_space<hbm>>
      %dma_wait3A_128 = tpu.memref_squeeze %dma_wait3A_127 : memref<1x10000xf32, #tpu.memory_space<hbm>> -> memref<10000xf32, #tpu.memory_space<hbm>>
      %dma_wait3A_129 = arith.constant 0 : i32
      %dma_wait3A_130 = tpu.memref_slice %arg2[%add3A_9, %dma_wait3A_129] : memref<128x10000xf32, #tpu.memory_space<hbm>> -> memref<1x10000xf32, #tpu.memory_space<hbm>>
      %dma_wait3A_131 = tpu.memref_squeeze %dma_wait3A_130 : memref<1x10000xf32, #tpu.memory_space<hbm>> -> memref<10000xf32, #tpu.memory_space<hbm>>
      tpu.wait_dma2 semaphore(%run_scoped3A : memref<!tpu.dma_semaphore, #tpu.memory_space<semaphore_mem>>) src(%dma_wait3A_131 : memref<10000xf32, #tpu.memory_space<hbm>>) dst(%arg9 : memref<10000xf32, #tpu.memory_space<vmem>>)
      tpu.yield
    }) : () -> ()
    %broadcast_in_dim3A_10 = arith.constant 0.000000e+00 : f32
    %broadcast_in_dim3A_11 = vector.broadcast %broadcast_in_dim3A_10 : f32 to vector<16xf32>
    %parallel_loop3A_12 = arith.constant 0 : i32
    %parallel_loop3A_13 = arith.constant 10000 : i32
    %parallel_loop3A_14 = arith.constant 16 : i32
    scf.for %parallel_loop3A_120 = %parallel_loop3A_12 to %parallel_loop3A_13 step %parallel_loop3A_14  : i32 {
      %parallel_loop3A_121 = arith.index_cast %parallel_loop3A_120 : i32 to index
      %parallel_loop3A_122 = tpu.vector_load %arg13[%parallel_loop3A_121] {strides = array<i32>} : memref<10000xf32, #tpu.memory_space<vmem>>, vector<16xf32>,
      tpu.vector_store %arg13[%parallel_loop3A_121], %broadcast_in_dim3A_11 {strides = array<i32>} : memref<10000xf32, #tpu.memory_space<vmem>>, vector<16xf32>,
    } {sc.loop_unroll_factor = 2 : i64, sc.parallel_access}
    %add3A_15 = arith.constant 2 : i32
    %add3A_16 = arith.addi %mul3A_2, %add3A_15 : i32
    "tpu.region"() ({
      %run_scoped3A = tpu.sem_alloc : memref<!tpu.dma_semaphore, #tpu.memory_space<semaphore_mem>>
      %dma_start3A_120 = arith.constant 0 : i32
      %dma_start3A_121 = tpu.memref_slice %arg2[%add3A_16, %dma_start3A_120] : memref<128x10000xf32, #tpu.memory_space<hbm>> -> memref<1x10000xf32, #tpu.memory_space<hbm>>
      %dma_start3A_122 = tpu.memref_squeeze %dma_start3A_121 : memref<1x10000xf32, #tpu.memory_space<hbm>> -> memref<10000xf32, #tpu.memory_space<hbm>>
      %dma_start3A_123 = arith.constant 0 : i32
      %dma_start3A_124 = tpu.memref_slice %arg2[%add3A_16, %dma_start3A_123] : memref<128x10000xf32, #tpu.memory_space<hbm>> -> memref<1x10000xf32, #tpu.memory_space<hbm>>
      %dma_start3A_125 = tpu.memref_squeeze %dma_start3A_124 : memref<1x10000xf32, #tpu.memory_space<hbm>> -> memref<10000xf32, #tpu.memory_space<hbm>>
      tpu.enqueue_dma source(%dma_start3A_125 : memref<10000xf32, #tpu.memory_space<hbm>>) target(%arg10 : memref<10000xf32, #tpu.memory_space<vmem>>) target_semaphore(%run_scoped3A : memref<!tpu.dma_semaphore, #tpu.memory_space<semaphore_mem>>)
      %dma_wait3A_126 = arith.constant 0 : i32
      %dma_wait3A_127 = tpu.memref_slice %arg2[%add3A_16, %dma_wait3A_126] : memref<128x10000xf32, #tpu.memory_space<hbm>> -> memref<1x10000xf32, #tpu.memory_space<hbm>>
      %dma_wait3A_128 = tpu.memref_squeeze %dma_wait3A_127 : memref<1x10000xf32, #tpu.memory_space<hbm>> -> memref<10000xf32, #tpu.memory_space<hbm>>
      %dma_wait3A_129 = arith.constant 0 : i32
      %dma_wait3A_130 = tpu.memref_slice %arg2[%add3A_16, %dma_wait3A_129] : memref<128x10000xf32, #tpu.memory_space<hbm>> -> memref<1x10000xf32, #tpu.memory_space<hbm>>
      %dma_wait3A_131 = tpu.memref_squeeze %dma_wait3A_130 : memref<1x10000xf32, #tpu.memory_space<hbm>> -> memref<10000xf32, #tpu.memory_space<hbm>>
      tpu.wait_dma2 semaphore(%run_scoped3A : memref<!tpu.dma_semaphore, #tpu.memory_space<semaphore_mem>>) src(%dma_wait3A_131 : memref<10000xf32, #tpu.memory_space<hbm>>) dst(%arg10 : memref<10000xf32, #tpu.memory_space<vmem>>)
      tpu.yield
    }) : () -> ()
    %broadcast_in_dim3A_17 = arith.constant 0.000000e+00 : f32
    %broadcast_in_dim3A_18 = vector.broadcast %broadcast_in_dim3A_17 : f32 to vector<16xf32>
    %parallel_loop3A_19 = arith.constant 0 : i32
    %parallel_loop3A_20 = arith.constant 10000 : i32
    %parallel_loop3A_21 = arith.constant 16 : i32
    scf.for %parallel_loop3A_120 = %parallel_loop3A_19 to %parallel_loop3A_20 step %parallel_loop3A_21  : i32 {
      %parallel_loop3A_121 = arith.index_cast %parallel_loop3A_120 : i32 to index
      %parallel_loop3A_122 = tpu.vector_load %arg14[%parallel_loop3A_121] {strides = array<i32>} : memref<10000xf32, #tpu.memory_space<vmem>>, vector<16xf32>,
      tpu.vector_store %arg14[%parallel_loop3A_121], %broadcast_in_dim3A_18 {strides = array<i32>} : memref<10000xf32, #tpu.memory_space<vmem>>, vector<16xf32>,
    } {sc.loop_unroll_factor = 2 : i64, sc.parallel_access}
    %add3A_22 = arith.constant 3 : i32
    %add3A_23 = arith.addi %mul3A_2, %add3A_22 : i32
    "tpu.region"() ({
      %run_scoped3A = tpu.sem_alloc : memref<!tpu.dma_semaphore, #tpu.memory_space<semaphore_mem>>
      %dma_start3A_120 = arith.constant 0 : i32
      %dma_start3A_121 = tpu.memref_slice %arg2[%add3A_23, %dma_start3A_120] : memref<128x10000xf32, #tpu.memory_space<hbm>> -> memref<1x10000xf32, #tpu.memory_space<hbm>>
      %dma_start3A_122 = tpu.memref_squeeze %dma_start3A_121 : memref<1x10000xf32, #tpu.memory_space<hbm>> -> memref<10000xf32, #tpu.memory_space<hbm>>
      %dma_start3A_123 = arith.constant 0 : i32
      %dma_start3A_124 = tpu.memref_slice %arg2[%add3A_23, %dma_start3A_123] : memref<128x10000xf32, #tpu.memory_space<hbm>> -> memref<1x10000xf32, #tpu.memory_space<hbm>>
      %dma_start3A_125 = tpu.memref_squeeze %dma_start3A_124 : memref<1x10000xf32, #tpu.memory_space<hbm>> -> memref<10000xf32, #tpu.memory_space<hbm>>
      tpu.enqueue_dma source(%dma_start3A_125 : memref<10000xf32, #tpu.memory_space<hbm>>) target(%arg11 : memref<10000xf32, #tpu.memory_space<vmem>>) target_semaphore(%run_scoped3A : memref<!tpu.dma_semaphore, #tpu.memory_space<semaphore_mem>>)
      %dma_wait3A_126 = arith.constant 0 : i32
      %dma_wait3A_127 = tpu.memref_slice %arg2[%add3A_23, %dma_wait3A_126] : memref<128x10000xf32, #tpu.memory_space<hbm>> -> memref<1x10000xf32, #tpu.memory_space<hbm>>
      %dma_wait3A_128 = tpu.memref_squeeze %dma_wait3A_127 : memref<1x10000xf32, #tpu.memory_space<hbm>> -> memref<10000xf32, #tpu.memory_space<hbm>>
      %dma_wait3A_129 = arith.constant 0 : i32
      %dma_wait3A_130 = tpu.memref_slice %arg2[%add3A_23, %dma_wait3A_129] : memref<128x10000xf32, #tpu.memory_space<hbm>> -> memref<1x10000xf32, #tpu.memory_space<hbm>>
      %dma_wait3A_131 = tpu.memref_squeeze %dma_wait3A_130 : memref<1x10000xf32, #tpu.memory_space<hbm>> -> memref<10000xf32, #tpu.memory_space<hbm>>
      tpu.wait_dma2 semaphore(%run_scoped3A : memref<!tpu.dma_semaphore, #tpu.memory_space<semaphore_mem>>) src(%dma_wait3A_131 : memref<10000xf32, #tpu.memory_space<hbm>>) dst(%arg11 : memref<10000xf32, #tpu.memory_space<vmem>>)
      tpu.yield
    }) : () -> ()
    %broadcast_in_dim3A_24 = arith.constant 0.000000e+00 : f32
    %broadcast_in_dim3A_25 = vector.broadcast %broadcast_in_dim3A_24 : f32 to vector<16xf32>
    %parallel_loop3A_26 = arith.constant 0 : i32
    %parallel_loop3A_27 = arith.constant 10000 : i32
    %parallel_loop3A_28 = arith.constant 16 : i32
    scf.for %parallel_loop3A_120 = %parallel_loop3A_26 to %parallel_loop3A_27 step %parallel_loop3A_28  : i32 {
      %parallel_loop3A_121 = arith.index_cast %parallel_loop3A_120 : i32 to index
      %parallel_loop3A_122 = tpu.vector_load %arg15[%parallel_loop3A_121] {strides = array<i32>} : memref<10000xf32, #tpu.memory_space<vmem>>, vector<16xf32>,
      tpu.vector_store %arg15[%parallel_loop3A_121], %broadcast_in_dim3A_25 {strides = array<i32>} : memref<10000xf32, #tpu.memory_space<vmem>>, vector<16xf32>,
    } {sc.loop_unroll_factor = 2 : i64, sc.parallel_access}
    %dma_start3A = arith.constant 0 : i32
    %dma_start3A_29 = tpu.memref_slice %arg3[%dma_start3A] : memref<320000xi32, #tpu.memory_space<hbm>> -> memref<4000xi32, #tpu.memory_space<hbm>>
    %dma_start3A_30 = arith.constant 0 : i32
    %dma_start3A_31 = tpu.memref_slice %arg3[%dma_start3A_30] : memref<320000xi32, #tpu.memory_space<hbm>> -> memref<4000xi32, #tpu.memory_space<hbm>>
    tpu.enqueue_dma source(%dma_start3A_31 : memref<4000xi32, #tpu.memory_space<hbm>>) target(%arg16 : memref<4000xi32, #tpu.memory_space<vmem>>) target_semaphore(%arg22 : memref<!tpu.dma_semaphore, #tpu.memory_space<semaphore_mem>>)
    %dma_start3A_32 = arith.constant 0 : i32
    %dma_start3A_33 = tpu.memref_slice %arg4[%dma_start3A_32] : memref<320000xi32, #tpu.memory_space<hbm>> -> memref<4000xi32, #tpu.memory_space<hbm>>
    %dma_start3A_34 = arith.constant 0 : i32
    %dma_start3A_35 = tpu.memref_slice %arg4[%dma_start3A_34] : memref<320000xi32, #tpu.memory_space<hbm>> -> memref<4000xi32, #tpu.memory_space<hbm>>
    tpu.enqueue_dma source(%dma_start3A_35 : memref<4000xi32, #tpu.memory_space<hbm>>) target(%arg17 : memref<4000xi32, #tpu.memory_space<vmem>>) target_semaphore(%arg22 : memref<!tpu.dma_semaphore, #tpu.memory_space<semaphore_mem>>)
    %dma_start3A_36 = arith.constant 0 : i32
    %dma_start3A_37 = tpu.memref_slice %arg5[%dma_start3A_36] : memref<320000xf32, #tpu.memory_space<hbm>> -> memref<4000xf32, #tpu.memory_space<hbm>>
    %dma_start3A_38 = arith.constant 0 : i32
    %dma_start3A_39 = tpu.memref_slice %arg5[%dma_start3A_38] : memref<320000xf32, #tpu.memory_space<hbm>> -> memref<4000xf32, #tpu.memory_space<hbm>>
    tpu.enqueue_dma source(%dma_start3A_39 : memref<4000xf32, #tpu.memory_space<hbm>>) target(%arg18 : memref<4000xf32, #tpu.memory_space<vmem>>) target_semaphore(%arg22 : memref<!tpu.dma_semaphore, #tpu.memory_space<semaphore_mem>>)
    %scan3A = arith.constant 0 : i32
    %scan3A_40 = arith.constant 40 : i32
    %scan3A_41 = arith.addi %scan3A, %scan3A_40 : i32
    %scan3A_42 = arith.constant 1 : i32
    scf.for %scan3A_120 = %scan3A to %scan3A_41 step %scan3A_42  : i32 {
      %mul3A_121 = arith.constant 2 : i32
      %mul3A_122 = arith.muli %scan3A_120, %mul3A_121 : i32
      %add3A_123 = arith.constant 0 : i32
      %add3A_124 = arith.addi %add3A_123, %mul3A_122 : i32
      %mul3A_125 = arith.constant 4000 : i32
      %mul3A_126 = arith.muli %add3A_124, %mul3A_125 : i32
      %add3A_127 = arith.constant 4000 : i32
      %add3A_128 = arith.addi %mul3A_126, %add3A_127 : i32
      %dma_start3A_129 = tpu.memref_slice %arg3[%add3A_128] : memref<320000xi32, #tpu.memory_space<hbm>> -> memref<4000xi32, #tpu.memory_space<hbm>>
      %dma_start3A_130 = tpu.memref_slice %arg3[%add3A_128] : memref<320000xi32, #tpu.memory_space<hbm>> -> memref<4000xi32, #tpu.memory_space<hbm>>
      tpu.enqueue_dma source(%dma_start3A_130 : memref<4000xi32, #tpu.memory_space<hbm>>) target(%arg19 : memref<4000xi32, #tpu.memory_space<vmem>>) target_semaphore(%arg23 : memref<!tpu.dma_semaphore, #tpu.memory_space<semaphore_mem>>)
      %dma_start3A_131 = tpu.memref_slice %arg4[%add3A_128] : memref<320000xi32, #tpu.memory_space<hbm>> -> memref<4000xi32, #tpu.memory_space<hbm>>
      %dma_start3A_132 = tpu.memref_slice %arg4[%add3A_128] : memref<320000xi32, #tpu.memory_space<hbm>> -> memref<4000xi32, #tpu.memory_space<hbm>>
      tpu.enqueue_dma source(%dma_start3A_132 : memref<4000xi32, #tpu.memory_space<hbm>>) target(%arg20 : memref<4000xi32, #tpu.memory_space<vmem>>) target_semaphore(%arg23 : memref<!tpu.dma_semaphore, #tpu.memory_space<semaphore_mem>>)
      %dma_start3A_133 = tpu.memref_slice %arg5[%add3A_128] : memref<320000xf32, #tpu.memory_space<hbm>> -> memref<4000xf32, #tpu.memory_space<hbm>>
      %dma_start3A_134 = tpu.memref_slice %arg5[%add3A_128] : memref<320000xf32, #tpu.memory_space<hbm>> -> memref<4000xf32, #tpu.memory_space<hbm>>
      tpu.enqueue_dma source(%dma_start3A_134 : memref<4000xf32, #tpu.memory_space<hbm>>) target(%arg21 : memref<4000xf32, #tpu.memory_space<vmem>>) target_semaphore(%arg23 : memref<!tpu.dma_semaphore, #tpu.memory_space<semaphore_mem>>)
      %dma_wait3A_135 = arith.constant 0 : i32
      %dma_wait3A_136 = tpu.memref_slice %arg3[%dma_wait3A_135] : memref<320000xi32, #tpu.memory_space<hbm>> -> memref<4000xi32, #tpu.memory_space<hbm>>
      %dma_wait3A_137 = arith.constant 0 : i32
      %dma_wait3A_138 = tpu.memref_slice %arg3[%dma_wait3A_137] : memref<320000xi32, #tpu.memory_space<hbm>> -> memref<4000xi32, #tpu.memory_space<hbm>>
      tpu.wait_dma2 semaphore(%arg22 : memref<!tpu.dma_semaphore, #tpu.memory_space<semaphore_mem>>) src(%dma_wait3A_138 : memref<4000xi32, #tpu.memory_space<hbm>>) dst(%arg16 : memref<4000xi32, #tpu.memory_space<vmem>>)
      %dma_wait3A_139 = arith.constant 0 : i32
      %dma_wait3A_140 = tpu.memref_slice %arg4[%dma_wait3A_139] : memref<320000xi32, #tpu.memory_space<hbm>> -> memref<4000xi32, #tpu.memory_space<hbm>>
      %dma_wait3A_141 = arith.constant 0 : i32
      %dma_wait3A_142 = tpu.memref_slice %arg4[%dma_wait3A_141] : memref<320000xi32, #tpu.memory_space<hbm>> -> memref<4000xi32, #tpu.memory_space<hbm>>
      tpu.wait_dma2 semaphore(%arg22 : memref<!tpu.dma_semaphore, #tpu.memory_space<semaphore_mem>>) src(%dma_wait3A_142 : memref<4000xi32, #tpu.memory_space<hbm>>) dst(%arg17 : memref<4000xi32, #tpu.memory_space<vmem>>)
      %dma_wait3A_143 = arith.constant 0 : i32
      %dma_wait3A_144 = tpu.memref_slice %arg5[%dma_wait3A_143] : memref<320000xf32, #tpu.memory_space<hbm>> -> memref<4000xf32, #tpu.memory_space<hbm>>
      %dma_wait3A_145 = arith.constant 0 : i32
      %dma_wait3A_146 = tpu.memref_slice %arg5[%dma_wait3A_145] : memref<320000xf32, #tpu.memory_space<hbm>> -> memref<4000xf32, #tpu.memory_space<hbm>>
      tpu.wait_dma2 semaphore(%arg22 : memref<!tpu.dma_semaphore, #tpu.memory_space<semaphore_mem>>) src(%dma_wait3A_146 : memref<4000xf32, #tpu.memory_space<hbm>>) dst(%arg18 : memref<4000xf32, #tpu.memory_space<vmem>>)
      %parallel_loop3A_147 = arith.constant 0 : i32
      %parallel_loop3A_148 = arith.constant 4000 : i32
      %parallel_loop3A_149 = arith.constant 16 : i32
      scf.for %parallel_loop3A_174 = %parallel_loop3A_147 to %parallel_loop3A_148 step %parallel_loop3A_149  : i32 {
        %parallel_loop3A_175 = arith.index_cast %parallel_loop3A_174 : i32 to index
        %parallel_loop3A_176 = tpu.vector_load %arg16[%parallel_loop3A_175] {strides = array<i32>} : memref<4000xi32, #tpu.memory_space<vmem>>, vector<16xi32>,
        %parallel_loop3A_177 = arith.index_cast %parallel_loop3A_174 : i32 to index
        %parallel_loop3A_178 = tpu.vector_load %arg17[%parallel_loop3A_177] {strides = array<i32>} : memref<4000xi32, #tpu.memory_space<vmem>>, vector<16xi32>,
        %parallel_loop3A_179 = arith.index_cast %parallel_loop3A_174 : i32 to index
        %parallel_loop3A_180 = tpu.vector_load %arg18[%parallel_loop3A_179] {strides = array<i32>} : memref<4000xf32, #tpu.memory_space<vmem>>, vector<16xf32>,
        %parallel_loop3A_181 = tpu.vector_load_idx %arg8[%parallel_loop3A_176] : memref<10000xf32, #tpu.memory_space<vmem>>[vector<16xi32>], vector<16xf32>,
        %parallel_loop3A_182 = arith.mulf %parallel_loop3A_180, %parallel_loop3A_181 : vector<16xf32>
        tpu.vector_store_idx %arg12[%parallel_loop3A_178], %parallel_loop3A_182 {add = true} : memref<10000xf32, #tpu.memory_space<vmem>>[vector<16xi32>], vector<16xf32>,
        %parallel_loop3A_183 = tpu.vector_load_idx %arg9[%parallel_loop3A_176] : memref<10000xf32, #tpu.memory_space<vmem>>[vector<16xi32>], vector<16xf32>,
        %parallel_loop3A_184 = arith.mulf %parallel_loop3A_180, %parallel_loop3A_183 : vector<16xf32>
        tpu.vector_store_idx %arg13[%parallel_loop3A_178], %parallel_loop3A_184 {add = true} : memref<10000xf32, #tpu.memory_space<vmem>>[vector<16xi32>], vector<16xf32>,
        %parallel_loop3A_185 = tpu.vector_load_idx %arg10[%parallel_loop3A_176] : memref<10000xf32, #tpu.memory_space<vmem>>[vector<16xi32>], vector<16xf32>,
        %parallel_loop3A_186 = arith.mulf %parallel_loop3A_180, %parallel_loop3A_185 : vector<16xf32>
        tpu.vector_store_idx %arg14[%parallel_loop3A_178], %parallel_loop3A_186 {add = true} : memref<10000xf32, #tpu.memory_space<vmem>>[vector<16xi32>], vector<16xf32>,
        %parallel_loop3A_187 = tpu.vector_load_idx %arg11[%parallel_loop3A_176] : memref<10000xf32, #tpu.memory_space<vmem>>[vector<16xi32>], vector<16xf32>,
        %parallel_loop3A_188 = arith.mulf %parallel_loop3A_180, %parallel_loop3A_187 : vector<16xf32>
        tpu.vector_store_idx %arg15[%parallel_loop3A_178], %parallel_loop3A_188 {add = true} : memref<10000xf32, #tpu.memory_space<vmem>>[vector<16xi32>], vector<16xf32>,
      } {sc.loop_unroll_factor = 2 : i64, sc.parallel_access}
      %add3A_150 = arith.constant 8000 : i32
      %add3A_151 = arith.addi %mul3A_126, %add3A_150 : i32
      %min3A = arith.constant 316000 : i32
      %min3A_152 = arith.minsi %add3A_151, %min3A : i32
      %dma_start3A_153 = tpu.memref_slice %arg3[%min3A_152] : memref<320000xi32, #tpu.memory_space<hbm>> -> memref<4000xi32, #tpu.memory_space<hbm>>
      %dma_start3A_154 = tpu.memref_slice %arg3[%min3A_152] : memref<320000xi32, #tpu.memory_space<hbm>> -> memref<4000xi32, #tpu.memory_space<hbm>>
      tpu.enqueue_dma source(%dma_start3A_154 : memref<4000xi32, #tpu.memory_space<hbm>>) target(%arg16 : memref<4000xi32, #tpu.memory_space<vmem>>) target_semaphore(%arg22 : memref<!tpu.dma_semaphore, #tpu.memory_space<semaphore_mem>>)
      %dma_start3A_155 = tpu.memref_slice %arg4[%min3A_152] : memref<320000xi32, #tpu.memory_space<hbm>> -> memref<4000xi32, #tpu.memory_space<hbm>>
      %dma_start3A_156 = tpu.memref_slice %arg4[%min3A_152] : memref<320000xi32, #tpu.memory_space<hbm>> -> memref<4000xi32, #tpu.memory_space<hbm>>
      tpu.enqueue_dma source(%dma_start3A_156 : memref<4000xi32, #tpu.memory_space<hbm>>) target(%arg17 : memref<4000xi32, #tpu.memory_space<vmem>>) target_semaphore(%arg22 : memref<!tpu.dma_semaphore, #tpu.memory_space<semaphore_mem>>)
      %dma_start3A_157 = tpu.memref_slice %arg5[%min3A_152] : memref<320000xf32, #tpu.memory_space<hbm>> -> memref<4000xf32, #tpu.memory_space<hbm>>
      %dma_start3A_158 = tpu.memref_slice %arg5[%min3A_152] : memref<320000xf32, #tpu.memory_space<hbm>> -> memref<4000xf32, #tpu.memory_space<hbm>>
      tpu.enqueue_dma source(%dma_start3A_158 : memref<4000xf32, #tpu.memory_space<hbm>>) target(%arg18 : memref<4000xf32, #tpu.memory_space<vmem>>) target_semaphore(%arg22 : memref<!tpu.dma_semaphore, #tpu.memory_space<semaphore_mem>>)
      %dma_wait3A_159 = arith.constant 0 : i32
      %dma_wait3A_160 = tpu.memref_slice %arg3[%dma_wait3A_159] : memref<320000xi32, #tpu.memory_space<hbm>> -> memref<4000xi32, #tpu.memory_space<hbm>>
      %dma_wait3A_161 = arith.constant 0 : i32
      %dma_wait3A_162 = tpu.memref_slice %arg3[%dma_wait3A_161] : memref<320000xi32, #tpu.memory_space<hbm>> -> memref<4000xi32, #tpu.memory_space<hbm>>
      tpu.wait_dma2 semaphore(%arg23 : memref<!tpu.dma_semaphore, #tpu.memory_space<semaphore_mem>>) src(%dma_wait3A_162 : memref<4000xi32, #tpu.memory_space<hbm>>) dst(%arg19 : memref<4000xi32, #tpu.memory_space<vmem>>)
      %dma_wait3A_163 = arith.constant 0 : i32
      %dma_wait3A_164 = tpu.memref_slice %arg4[%dma_wait3A_163] : memref<320000xi32, #tpu.memory_space<hbm>> -> memref<4000xi32, #tpu.memory_space<hbm>>
      %dma_wait3A_165 = arith.constant 0 : i32
      %dma_wait3A_166 = tpu.memref_slice %arg4[%dma_wait3A_165] : memref<320000xi32, #tpu.memory_space<hbm>> -> memref<4000xi32, #tpu.memory_space<hbm>>
      tpu.wait_dma2 semaphore(%arg23 : memref<!tpu.dma_semaphore, #tpu.memory_space<semaphore_mem>>) src(%dma_wait3A_166 : memref<4000xi32, #tpu.memory_space<hbm>>) dst(%arg20 : memref<4000xi32, #tpu.memory_space<vmem>>)
      %dma_wait3A_167 = arith.constant 0 : i32
      %dma_wait3A_168 = tpu.memref_slice %arg5[%dma_wait3A_167] : memref<320000xf32, #tpu.memory_space<hbm>> -> memref<4000xf32, #tpu.memory_space<hbm>>
      %dma_wait3A_169 = arith.constant 0 : i32
      %dma_wait3A_170 = tpu.memref_slice %arg5[%dma_wait3A_169] : memref<320000xf32, #tpu.memory_space<hbm>> -> memref<4000xf32, #tpu.memory_space<hbm>>
      tpu.wait_dma2 semaphore(%arg23 : memref<!tpu.dma_semaphore, #tpu.memory_space<semaphore_mem>>) src(%dma_wait3A_170 : memref<4000xf32, #tpu.memory_space<hbm>>) dst(%arg21 : memref<4000xf32, #tpu.memory_space<vmem>>)
      %parallel_loop3A_171 = arith.constant 0 : i32
      %parallel_loop3A_172 = arith.constant 4000 : i32
      %parallel_loop3A_173 = arith.constant 16 : i32
      scf.for %parallel_loop3A_174 = %parallel_loop3A_171 to %parallel_loop3A_172 step %parallel_loop3A_173  : i32 {
        %parallel_loop3A_175 = arith.index_cast %parallel_loop3A_174 : i32 to index
        %parallel_loop3A_176 = tpu.vector_load %arg19[%parallel_loop3A_175] {strides = array<i32>} : memref<4000xi32, #tpu.memory_space<vmem>>, vector<16xi32>,
        %parallel_loop3A_177 = arith.index_cast %parallel_loop3A_174 : i32 to index
        %parallel_loop3A_178 = tpu.vector_load %arg20[%parallel_loop3A_177] {strides = array<i32>} : memref<4000xi32, #tpu.memory_space<vmem>>, vector<16xi32>,
        %parallel_loop3A_179 = arith.index_cast %parallel_loop3A_174 : i32 to index
        %parallel_loop3A_180 = tpu.vector_load %arg21[%parallel_loop3A_179] {strides = array<i32>} : memref<4000xf32, #tpu.memory_space<vmem>>, vector<16xf32>,
        %parallel_loop3A_181 = tpu.vector_load_idx %arg8[%parallel_loop3A_176] : memref<10000xf32, #tpu.memory_space<vmem>>[vector<16xi32>], vector<16xf32>,
        %parallel_loop3A_182 = arith.mulf %parallel_loop3A_180, %parallel_loop3A_181 : vector<16xf32>
        tpu.vector_store_idx %arg12[%parallel_loop3A_178], %parallel_loop3A_182 {add = true} : memref<10000xf32, #tpu.memory_space<vmem>>[vector<16xi32>], vector<16xf32>,
        %parallel_loop3A_183 = tpu.vector_load_idx %arg9[%parallel_loop3A_176] : memref<10000xf32, #tpu.memory_space<vmem>>[vector<16xi32>], vector<16xf32>,
        %parallel_loop3A_184 = arith.mulf %parallel_loop3A_180, %parallel_loop3A_183 : vector<16xf32>
        tpu.vector_store_idx %arg13[%parallel_loop3A_178], %parallel_loop3A_184 {add = true} : memref<10000xf32, #tpu.memory_space<vmem>>[vector<16xi32>], vector<16xf32>,
        %parallel_loop3A_185 = tpu.vector_load_idx %arg10[%parallel_loop3A_176] : memref<10000xf32, #tpu.memory_space<vmem>>[vector<16xi32>], vector<16xf32>,
        %parallel_loop3A_186 = arith.mulf %parallel_loop3A_180, %parallel_loop3A_185 : vector<16xf32>
        tpu.vector_store_idx %arg14[%parallel_loop3A_178], %parallel_loop3A_186 {add = true} : memref<10000xf32, #tpu.memory_space<vmem>>[vector<16xi32>], vector<16xf32>,
        %parallel_loop3A_187 = tpu.vector_load_idx %arg11[%parallel_loop3A_176] : memref<10000xf32, #tpu.memory_space<vmem>>[vector<16xi32>], vector<16xf32>,
        %parallel_loop3A_188 = arith.mulf %parallel_loop3A_180, %parallel_loop3A_187 : vector<16xf32>
        tpu.vector_store_idx %arg15[%parallel_loop3A_178], %parallel_loop3A_188 {add = true} : memref<10000xf32, #tpu.memory_space<vmem>>[vector<16xi32>], vector<16xf32>,
      } {sc.loop_unroll_factor = 2 : i64, sc.parallel_access}
    }
    %scan3A_43 = arith.constant 40 : i32
    %dma_wait3A = arith.constant 0 : i32
    %dma_wait3A_44 = tpu.memref_slice %arg3[%dma_wait3A] : memref<320000xi32, #tpu.memory_space<hbm>> -> memref<4000xi32, #tpu.memory_space<hbm>>
    %dma_wait3A_45 = arith.constant 0 : i32
    %dma_wait3A_46 = tpu.memref_slice %arg3[%dma_wait3A_45] : memref<320000xi32, #tpu.memory_space<hbm>> -> memref<4000xi32, #tpu.memory_space<hbm>>
    tpu.wait_dma2 semaphore(%arg22 : memref<!tpu.dma_semaphore, #tpu.memory_space<semaphore_mem>>) src(%dma_wait3A_46 : memref<4000xi32, #tpu.memory_space<hbm>>) dst(%arg16 : memref<4000xi32, #tpu.memory_space<vmem>>)
    %dma_wait3A_47 = arith.constant 0 : i32
    %dma_wait3A_48 = tpu.memref_slice %arg4[%dma_wait3A_47] : memref<320000xi32, #tpu.memory_space<hbm>> -> memref<4000xi32, #tpu.memory_space<hbm>>
    %dma_wait3A_49 = arith.constant 0 : i32
    %dma_wait3A_50 = tpu.memref_slice %arg4[%dma_wait3A_49] : memref<320000xi32, #tpu.memory_space<hbm>> -> memref<4000xi32, #tpu.memory_space<hbm>>
    tpu.wait_dma2 semaphore(%arg22 : memref<!tpu.dma_semaphore, #tpu.memory_space<semaphore_mem>>) src(%dma_wait3A_50 : memref<4000xi32, #tpu.memory_space<hbm>>) dst(%arg17 : memref<4000xi32, #tpu.memory_space<vmem>>)
    %dma_wait3A_51 = arith.constant 0 : i32
    %dma_wait3A_52 = tpu.memref_slice %arg5[%dma_wait3A_51] : memref<320000xf32, #tpu.memory_space<hbm>> -> memref<4000xf32, #tpu.memory_space<hbm>>
    %dma_wait3A_53 = arith.constant 0 : i32
    %dma_wait3A_54 = tpu.memref_slice %arg5[%dma_wait3A_53] : memref<320000xf32, #tpu.memory_space<hbm>> -> memref<4000xf32, #tpu.memory_space<hbm>>
    tpu.wait_dma2 semaphore(%arg22 : memref<!tpu.dma_semaphore, #tpu.memory_space<semaphore_mem>>) src(%dma_wait3A_54 : memref<4000xf32, #tpu.memory_space<hbm>>) dst(%arg18 : memref<4000xf32, #tpu.memory_space<vmem>>)
    %add3A_55 = arith.constant 0 : i32
    %add3A_56 = arith.addi %mul3A_2, %add3A_55 : i32
    "tpu.region"() ({
      %run_scoped3A = tpu.sem_alloc : memref<!tpu.dma_semaphore, #tpu.memory_space<semaphore_mem>>
      %dma_start3A_120 = arith.constant 0 : i32
      %dma_start3A_121 = tpu.memref_slice %arg6[%add3A_56, %dma_start3A_120] : memref<128x10000xf32, #tpu.memory_space<hbm>> -> memref<1x10000xf32, #tpu.memory_space<hbm>>
      %dma_start3A_122 = tpu.memref_squeeze %dma_start3A_121 : memref<1x10000xf32, #tpu.memory_space<hbm>> -> memref<10000xf32, #tpu.memory_space<hbm>>
      %dma_start3A_123 = arith.constant 0 : i32
      %dma_start3A_124 = tpu.memref_slice %arg6[%add3A_56, %dma_start3A_123] : memref<128x10000xf32, #tpu.memory_space<hbm>> -> memref<1x10000xf32, #tpu.memory_space<hbm>>
      %dma_start3A_125 = tpu.memref_squeeze %dma_start3A_124 : memref<1x10000xf32, #tpu.memory_space<hbm>> -> memref<10000xf32, #tpu.memory_space<hbm>>
      tpu.enqueue_dma source(%arg12 : memref<10000xf32, #tpu.memory_space<vmem>>) target(%dma_start3A_125 : memref<10000xf32, #tpu.memory_space<hbm>>) target_semaphore(%run_scoped3A : memref<!tpu.dma_semaphore, #tpu.memory_space<semaphore_mem>>)
      %dma_wait3A_126 = arith.constant 0 : i32
      %dma_wait3A_127 = tpu.memref_slice %arg6[%add3A_56, %dma_wait3A_126] : memref<128x10000xf32, #tpu.memory_space<hbm>> -> memref<1x10000xf32, #tpu.memory_space<hbm>>
      %dma_wait3A_128 = tpu.memref_squeeze %dma_wait3A_127 : memref<1x10000xf32, #tpu.memory_space<hbm>> -> memref<10000xf32, #tpu.memory_space<hbm>>
      %dma_wait3A_129 = arith.constant 0 : i32
      %dma_wait3A_130 = tpu.memref_slice %arg6[%add3A_56, %dma_wait3A_129] : memref<128x10000xf32, #tpu.memory_space<hbm>> -> memref<1x10000xf32, #tpu.memory_space<hbm>>
      %dma_wait3A_131 = tpu.memref_squeeze %dma_wait3A_130 : memref<1x10000xf32, #tpu.memory_space<hbm>> -> memref<10000xf32, #tpu.memory_space<hbm>>
      tpu.wait_dma2 semaphore(%run_scoped3A : memref<!tpu.dma_semaphore, #tpu.memory_space<semaphore_mem>>) src(%arg12 : memref<10000xf32, #tpu.memory_space<vmem>>) dst(%dma_wait3A_131 : memref<10000xf32, #tpu.memory_space<hbm>>)
      tpu.yield
    }) : () -> ()
    %broadcast_in_dim3A_57 = arith.constant 0.000000e+00 : f32
    %broadcast_in_dim3A_58 = vector.broadcast %broadcast_in_dim3A_57 : f32 to vector<16xf32>
    %parallel_loop3A_59 = arith.constant 0 : i32
    %parallel_loop3A_60 = arith.constant 10000 : i32
    %parallel_loop3A_61 = arith.constant 16 : i32
    scf.for %parallel_loop3A_120 = %parallel_loop3A_59 to %parallel_loop3A_60 step %parallel_loop3A_61  : i32 {
      %parallel_loop3A_121 = arith.index_cast %parallel_loop3A_120 : i32 to index
      %parallel_loop3A_122 = tpu.vector_load %arg8[%parallel_loop3A_121] {strides = array<i32>} : memref<10000xf32, #tpu.memory_space<vmem>>, vector<16xf32>,
      tpu.vector_store %arg8[%parallel_loop3A_121], %broadcast_in_dim3A_58 {strides = array<i32>} : memref<10000xf32, #tpu.memory_space<vmem>>, vector<16xf32>,
    } {sc.loop_unroll_factor = 2 : i64, sc.parallel_access}
    %add3A_62 = arith.constant 1 : i32
    %add3A_63 = arith.addi %mul3A_2, %add3A_62 : i32
    "tpu.region"() ({
      %run_scoped3A = tpu.sem_alloc : memref<!tpu.dma_semaphore, #tpu.memory_space<semaphore_mem>>
      %dma_start3A_120 = arith.constant 0 : i32
      %dma_start3A_121 = tpu.memref_slice %arg6[%add3A_63, %dma_start3A_120] : memref<128x10000xf32, #tpu.memory_space<hbm>> -> memref<1x10000xf32, #tpu.memory_space<hbm>>
      %dma_start3A_122 = tpu.memref_squeeze %dma_start3A_121 : memref<1x10000xf32, #tpu.memory_space<hbm>> -> memref<10000xf32, #tpu.memory_space<hbm>>
      %dma_start3A_123 = arith.constant 0 : i32
      %dma_start3A_124 = tpu.memref_slice %arg6[%add3A_63, %dma_start3A_123] : memref<128x10000xf32, #tpu.memory_space<hbm>> -> memref<1x10000xf32, #tpu.memory_space<hbm>>
      %dma_start3A_125 = tpu.memref_squeeze %dma_start3A_124 : memref<1x10000xf32, #tpu.memory_space<hbm>> -> memref<10000xf32, #tpu.memory_space<hbm>>
      tpu.enqueue_dma source(%arg13 : memref<10000xf32, #tpu.memory_space<vmem>>) target(%dma_start3A_125 : memref<10000xf32, #tpu.memory_space<hbm>>) target_semaphore(%run_scoped3A : memref<!tpu.dma_semaphore, #tpu.memory_space<semaphore_mem>>)
      %dma_wait3A_126 = arith.constant 0 : i32
      %dma_wait3A_127 = tpu.memref_slice %arg6[%add3A_63, %dma_wait3A_126] : memref<128x10000xf32, #tpu.memory_space<hbm>> -> memref<1x10000xf32, #tpu.memory_space<hbm>>
      %dma_wait3A_128 = tpu.memref_squeeze %dma_wait3A_127 : memref<1x10000xf32, #tpu.memory_space<hbm>> -> memref<10000xf32, #tpu.memory_space<hbm>>
      %dma_wait3A_129 = arith.constant 0 : i32
      %dma_wait3A_130 = tpu.memref_slice %arg6[%add3A_63, %dma_wait3A_129] : memref<128x10000xf32, #tpu.memory_space<hbm>> -> memref<1x10000xf32, #tpu.memory_space<hbm>>
      %dma_wait3A_131 = tpu.memref_squeeze %dma_wait3A_130 : memref<1x10000xf32, #tpu.memory_space<hbm>> -> memref<10000xf32, #tpu.memory_space<hbm>>
      tpu.wait_dma2 semaphore(%run_scoped3A : memref<!tpu.dma_semaphore, #tpu.memory_space<semaphore_mem>>) src(%arg13 : memref<10000xf32, #tpu.memory_space<vmem>>) dst(%dma_wait3A_131 : memref<10000xf32, #tpu.memory_space<hbm>>)
      tpu.yield
    }) : () -> ()
    %broadcast_in_dim3A_64 = arith.constant 0.000000e+00 : f32
    %broadcast_in_dim3A_65 = vector.broadcast %broadcast_in_dim3A_64 : f32 to vector<16xf32>
    %parallel_loop3A_66 = arith.constant 0 : i32
    %parallel_loop3A_67 = arith.constant 10000 : i32
    %parallel_loop3A_68 = arith.constant 16 : i32
    scf.for %parallel_loop3A_120 = %parallel_loop3A_66 to %parallel_loop3A_67 step %parallel_loop3A_68  : i32 {
      %parallel_loop3A_121 = arith.index_cast %parallel_loop3A_120 : i32 to index
      %parallel_loop3A_122 = tpu.vector_load %arg9[%parallel_loop3A_121] {strides = array<i32>} : memref<10000xf32, #tpu.memory_space<vmem>>, vector<16xf32>,
      tpu.vector_store %arg9[%parallel_loop3A_121], %broadcast_in_dim3A_65 {strides = array<i32>} : memref<10000xf32, #tpu.memory_space<vmem>>, vector<16xf32>,
    } {sc.loop_unroll_factor = 2 : i64, sc.parallel_access}
    %add3A_69 = arith.constant 2 : i32
    %add3A_70 = arith.addi %mul3A_2, %add3A_69 : i32
    "tpu.region"() ({
      %run_scoped3A = tpu.sem_alloc : memref<!tpu.dma_semaphore, #tpu.memory_space<semaphore_mem>>
      %dma_start3A_120 = arith.constant 0 : i32
      %dma_start3A_121 = tpu.memref_slice %arg6[%add3A_70, %dma_start3A_120] : memref<128x10000xf32, #tpu.memory_space<hbm>> -> memref<1x10000xf32, #tpu.memory_space<hbm>>
      %dma_start3A_122 = tpu.memref_squeeze %dma_start3A_121 : memref<1x10000xf32, #tpu.memory_space<hbm>> -> memref<10000xf32, #tpu.memory_space<hbm>>
      %dma_start3A_123 = arith.constant 0 : i32
      %dma_start3A_124 = tpu.memref_slice %arg6[%add3A_70, %dma_start3A_123] : memref<128x10000xf32, #tpu.memory_space<hbm>> -> memref<1x10000xf32, #tpu.memory_space<hbm>>
      %dma_start3A_125 = tpu.memref_squeeze %dma_start3A_124 : memref<1x10000xf32, #tpu.memory_space<hbm>> -> memref<10000xf32, #tpu.memory_space<hbm>>
      tpu.enqueue_dma source(%arg14 : memref<10000xf32, #tpu.memory_space<vmem>>) target(%dma_start3A_125 : memref<10000xf32, #tpu.memory_space<hbm>>) target_semaphore(%run_scoped3A : memref<!tpu.dma_semaphore, #tpu.memory_space<semaphore_mem>>)
      %dma_wait3A_126 = arith.constant 0 : i32
      %dma_wait3A_127 = tpu.memref_slice %arg6[%add3A_70, %dma_wait3A_126] : memref<128x10000xf32, #tpu.memory_space<hbm>> -> memref<1x10000xf32, #tpu.memory_space<hbm>>
      %dma_wait3A_128 = tpu.memref_squeeze %dma_wait3A_127 : memref<1x10000xf32, #tpu.memory_space<hbm>> -> memref<10000xf32, #tpu.memory_space<hbm>>
      %dma_wait3A_129 = arith.constant 0 : i32
      %dma_wait3A_130 = tpu.memref_slice %arg6[%add3A_70, %dma_wait3A_129] : memref<128x10000xf32, #tpu.memory_space<hbm>> -> memref<1x10000xf32, #tpu.memory_space<hbm>>
      %dma_wait3A_131 = tpu.memref_squeeze %dma_wait3A_130 : memref<1x10000xf32, #tpu.memory_space<hbm>> -> memref<10000xf32, #tpu.memory_space<hbm>>
      tpu.wait_dma2 semaphore(%run_scoped3A : memref<!tpu.dma_semaphore, #tpu.memory_space<semaphore_mem>>) src(%arg14 : memref<10000xf32, #tpu.memory_space<vmem>>) dst(%dma_wait3A_131 : memref<10000xf32, #tpu.memory_space<hbm>>)
      tpu.yield
    }) : () -> ()
    %broadcast_in_dim3A_71 = arith.constant 0.000000e+00 : f32
    %broadcast_in_dim3A_72 = vector.broadcast %broadcast_in_dim3A_71 : f32 to vector<16xf32>
    %parallel_loop3A_73 = arith.constant 0 : i32
    %parallel_loop3A_74 = arith.constant 10000 : i32
    %parallel_loop3A_75 = arith.constant 16 : i32
    scf.for %parallel_loop3A_120 = %parallel_loop3A_73 to %parallel_loop3A_74 step %parallel_loop3A_75  : i32 {
      %parallel_loop3A_121 = arith.index_cast %parallel_loop3A_120 : i32 to index
      %parallel_loop3A_122 = tpu.vector_load %arg10[%parallel_loop3A_121] {strides = array<i32>} : memref<10000xf32, #tpu.memory_space<vmem>>, vector<16xf32>,
      tpu.vector_store %arg10[%parallel_loop3A_121], %broadcast_in_dim3A_72 {strides = array<i32>} : memref<10000xf32, #tpu.memory_space<vmem>>, vector<16xf32>,
    } {sc.loop_unroll_factor = 2 : i64, sc.parallel_access}
    %add3A_76 = arith.constant 3 : i32
    %add3A_77 = arith.addi %mul3A_2, %add3A_76 : i32
    "tpu.region"() ({
      %run_scoped3A = tpu.sem_alloc : memref<!tpu.dma_semaphore, #tpu.memory_space<semaphore_mem>>
      %dma_start3A_120 = arith.constant 0 : i32
      %dma_start3A_121 = tpu.memref_slice %arg6[%add3A_77, %dma_start3A_120] : memref<128x10000xf32, #tpu.memory_space<hbm>> -> memref<1x10000xf32, #tpu.memory_space<hbm>>
      %dma_start3A_122 = tpu.memref_squeeze %dma_start3A_121 : memref<1x10000xf32, #tpu.memory_space<hbm>> -> memref<10000xf32, #tpu.memory_space<hbm>>
      %dma_start3A_123 = arith.constant 0 : i32
      %dma_start3A_124 = tpu.memref_slice %arg6[%add3A_77, %dma_start3A_123] : memref<128x10000xf32, #tpu.memory_space<hbm>> -> memref<1x10000xf32, #tpu.memory_space<hbm>>
      %dma_start3A_125 = tpu.memref_squeeze %dma_start3A_124 : memref<1x10000xf32, #tpu.memory_space<hbm>> -> memref<10000xf32, #tpu.memory_space<hbm>>
      tpu.enqueue_dma source(%arg15 : memref<10000xf32, #tpu.memory_space<vmem>>) target(%dma_start3A_125 : memref<10000xf32, #tpu.memory_space<hbm>>) target_semaphore(%run_scoped3A : memref<!tpu.dma_semaphore, #tpu.memory_space<semaphore_mem>>)
      %dma_wait3A_126 = arith.constant 0 : i32
      %dma_wait3A_127 = tpu.memref_slice %arg6[%add3A_77, %dma_wait3A_126] : memref<128x10000xf32, #tpu.memory_space<hbm>> -> memref<1x10000xf32, #tpu.memory_space<hbm>>
      %dma_wait3A_128 = tpu.memref_squeeze %dma_wait3A_127 : memref<1x10000xf32, #tpu.memory_space<hbm>> -> memref<10000xf32, #tpu.memory_space<hbm>>
      %dma_wait3A_129 = arith.constant 0 : i32
      %dma_wait3A_130 = tpu.memref_slice %arg6[%add3A_77, %dma_wait3A_129] : memref<128x10000xf32, #tpu.memory_space<hbm>> -> memref<1x10000xf32, #tpu.memory_space<hbm>>
      %dma_wait3A_131 = tpu.memref_squeeze %dma_wait3A_130 : memref<1x10000xf32, #tpu.memory_space<hbm>> -> memref<10000xf32, #tpu.memory_space<hbm>>
      tpu.wait_dma2 semaphore(%run_scoped3A : memref<!tpu.dma_semaphore, #tpu.memory_space<semaphore_mem>>) src(%arg15 : memref<10000xf32, #tpu.memory_space<vmem>>) dst(%dma_wait3A_131 : memref<10000xf32, #tpu.memory_space<hbm>>)
      tpu.yield
    }) : () -> ()
    %broadcast_in_dim3A_78 = arith.constant 0.000000e+00 : f32
    %broadcast_in_dim3A_79 = vector.broadcast %broadcast_in_dim3A_78 : f32 to vector<16xf32>
    %parallel_loop3A_80 = arith.constant 0 : i32
    %parallel_loop3A_81 = arith.constant 10000 : i32
    %parallel_loop3A_82 = arith.constant 16 : i32
    scf.for %parallel_loop3A_120 = %parallel_loop3A_80 to %parallel_loop3A_81 step %parallel_loop3A_82  : i32 {
      %parallel_loop3A_121 = arith.index_cast %parallel_loop3A_120 : i32 to index
      %parallel_loop3A_122 = tpu.vector_load %arg11[%parallel_loop3A_121] {strides = array<i32>} : memref<10000xf32, #tpu.memory_space<vmem>>, vector<16xf32>,
      tpu.vector_store %arg11[%parallel_loop3A_121], %broadcast_in_dim3A_79 {strides = array<i32>} : memref<10000xf32, #tpu.memory_space<vmem>>, vector<16xf32>,
    } {sc.loop_unroll_factor = 2 : i64, sc.parallel_access}
    %dma_start3A_83 = arith.constant 0 : i32
    %dma_start3A_84 = tpu.memref_slice %arg3[%dma_start3A_83] : memref<320000xi32, #tpu.memory_space<hbm>> -> memref<4000xi32, #tpu.memory_space<hbm>>
    %dma_start3A_85 = arith.constant 0 : i32
    %dma_start3A_86 = tpu.memref_slice %arg3[%dma_start3A_85] : memref<320000xi32, #tpu.memory_space<hbm>> -> memref<4000xi32, #tpu.memory_space<hbm>>
    tpu.enqueue_dma source(%dma_start3A_86 : memref<4000xi32, #tpu.memory_space<hbm>>) target(%arg16 : memref<4000xi32, #tpu.memory_space<vmem>>) target_semaphore(%arg22 : memref<!tpu.dma_semaphore, #tpu.memory_space<semaphore_mem>>)
    %dma_start3A_87 = arith.constant 0 : i32
    %dma_start3A_88 = tpu.memref_slice %arg4[%dma_start3A_87] : memref<320000xi32, #tpu.memory_space<hbm>> -> memref<4000xi32, #tpu.memory_space<hbm>>
    %dma_start3A_89 = arith.constant 0 : i32
    %dma_start3A_90 = tpu.memref_slice %arg4[%dma_start3A_89] : memref<320000xi32, #tpu.memory_space<hbm>> -> memref<4000xi32, #tpu.memory_space<hbm>>
    tpu.enqueue_dma source(%dma_start3A_90 : memref<4000xi32, #tpu.memory_space<hbm>>) target(%arg17 : memref<4000xi32, #tpu.memory_space<vmem>>) target_semaphore(%arg22 : memref<!tpu.dma_semaphore, #tpu.memory_space<semaphore_mem>>)
    %dma_start3A_91 = arith.constant 0 : i32
    %dma_start3A_92 = tpu.memref_slice %arg5[%dma_start3A_91] : memref<320000xf32, #tpu.memory_space<hbm>> -> memref<4000xf32, #tpu.memory_space<hbm>>
    %dma_start3A_93 = arith.constant 0 : i32
    %dma_start3A_94 = tpu.memref_slice %arg5[%dma_start3A_93] : memref<320000xf32, #tpu.memory_space<hbm>> -> memref<4000xf32, #tpu.memory_space<hbm>>
    tpu.enqueue_dma source(%dma_start3A_94 : memref<4000xf32, #tpu.memory_space<hbm>>) target(%arg18 : memref<4000xf32, #tpu.memory_space<vmem>>) target_semaphore(%arg22 : memref<!tpu.dma_semaphore, #tpu.memory_space<semaphore_mem>>)
    %scan3A_95 = arith.constant 0 : i32
    %scan3A_96 = arith.constant 40 : i32
    %scan3A_97 = arith.addi %scan3A_95, %scan3A_96 : i32
    %scan3A_98 = arith.constant 1 : i32
    scf.for %scan3A_120 = %scan3A_95 to %scan3A_97 step %scan3A_98  : i32 {
      %mul3A_121 = arith.constant 2 : i32
      %mul3A_122 = arith.muli %scan3A_120, %mul3A_121 : i32
      %add3A_123 = arith.constant 0 : i32
      %add3A_124 = arith.addi %add3A_123, %mul3A_122 : i32
      %mul3A_125 = arith.constant 4000 : i32
      %mul3A_126 = arith.muli %add3A_124, %mul3A_125 : i32
      %add3A_127 = arith.constant 4000 : i32
      %add3A_128 = arith.addi %mul3A_126, %add3A_127 : i32
      %dma_start3A_129 = tpu.memref_slice %arg3[%add3A_128] : memref<320000xi32, #tpu.memory_space<hbm>> -> memref<4000xi32, #tpu.memory_space<hbm>>
      %dma_start3A_130 = tpu.memref_slice %arg3[%add3A_128] : memref<320000xi32, #tpu.memory_space<hbm>> -> memref<4000xi32, #tpu.memory_space<hbm>>
      tpu.enqueue_dma source(%dma_start3A_130 : memref<4000xi32, #tpu.memory_space<hbm>>) target(%arg19 : memref<4000xi32, #tpu.memory_space<vmem>>) target_semaphore(%arg23 : memref<!tpu.dma_semaphore, #tpu.memory_space<semaphore_mem>>)
      %dma_start3A_131 = tpu.memref_slice %arg4[%add3A_128] : memref<320000xi32, #tpu.memory_space<hbm>> -> memref<4000xi32, #tpu.memory_space<hbm>>
      %dma_start3A_132 = tpu.memref_slice %arg4[%add3A_128] : memref<320000xi32, #tpu.memory_space<hbm>> -> memref<4000xi32, #tpu.memory_space<hbm>>
      tpu.enqueue_dma source(%dma_start3A_132 : memref<4000xi32, #tpu.memory_space<hbm>>) target(%arg20 : memref<4000xi32, #tpu.memory_space<vmem>>) target_semaphore(%arg23 : memref<!tpu.dma_semaphore, #tpu.memory_space<semaphore_mem>>)
      %dma_start3A_133 = tpu.memref_slice %arg5[%add3A_128] : memref<320000xf32, #tpu.memory_space<hbm>> -> memref<4000xf32, #tpu.memory_space<hbm>>
      %dma_start3A_134 = tpu.memref_slice %arg5[%add3A_128] : memref<320000xf32, #tpu.memory_space<hbm>> -> memref<4000xf32, #tpu.memory_space<hbm>>
      tpu.enqueue_dma source(%dma_start3A_134 : memref<4000xf32, #tpu.memory_space<hbm>>) target(%arg21 : memref<4000xf32, #tpu.memory_space<vmem>>) target_semaphore(%arg23 : memref<!tpu.dma_semaphore, #tpu.memory_space<semaphore_mem>>)
      %dma_wait3A_135 = arith.constant 0 : i32
      %dma_wait3A_136 = tpu.memref_slice %arg3[%dma_wait3A_135] : memref<320000xi32, #tpu.memory_space<hbm>> -> memref<4000xi32, #tpu.memory_space<hbm>>
      %dma_wait3A_137 = arith.constant 0 : i32
      %dma_wait3A_138 = tpu.memref_slice %arg3[%dma_wait3A_137] : memref<320000xi32, #tpu.memory_space<hbm>> -> memref<4000xi32, #tpu.memory_space<hbm>>
      tpu.wait_dma2 semaphore(%arg22 : memref<!tpu.dma_semaphore, #tpu.memory_space<semaphore_mem>>) src(%dma_wait3A_138 : memref<4000xi32, #tpu.memory_space<hbm>>) dst(%arg16 : memref<4000xi32, #tpu.memory_space<vmem>>)
      %dma_wait3A_139 = arith.constant 0 : i32
      %dma_wait3A_140 = tpu.memref_slice %arg4[%dma_wait3A_139] : memref<320000xi32, #tpu.memory_space<hbm>> -> memref<4000xi32, #tpu.memory_space<hbm>>
      %dma_wait3A_141 = arith.constant 0 : i32
      %dma_wait3A_142 = tpu.memref_slice %arg4[%dma_wait3A_141] : memref<320000xi32, #tpu.memory_space<hbm>> -> memref<4000xi32, #tpu.memory_space<hbm>>
      tpu.wait_dma2 semaphore(%arg22 : memref<!tpu.dma_semaphore, #tpu.memory_space<semaphore_mem>>) src(%dma_wait3A_142 : memref<4000xi32, #tpu.memory_space<hbm>>) dst(%arg17 : memref<4000xi32, #tpu.memory_space<vmem>>)
      %dma_wait3A_143 = arith.constant 0 : i32
      %dma_wait3A_144 = tpu.memref_slice %arg5[%dma_wait3A_143] : memref<320000xf32, #tpu.memory_space<hbm>> -> memref<4000xf32, #tpu.memory_space<hbm>>
      %dma_wait3A_145 = arith.constant 0 : i32
      %dma_wait3A_146 = tpu.memref_slice %arg5[%dma_wait3A_145] : memref<320000xf32, #tpu.memory_space<hbm>> -> memref<4000xf32, #tpu.memory_space<hbm>>
      tpu.wait_dma2 semaphore(%arg22 : memref<!tpu.dma_semaphore, #tpu.memory_space<semaphore_mem>>) src(%dma_wait3A_146 : memref<4000xf32, #tpu.memory_space<hbm>>) dst(%arg18 : memref<4000xf32, #tpu.memory_space<vmem>>)
      %parallel_loop3A_147 = arith.constant 0 : i32
      %parallel_loop3A_148 = arith.constant 4000 : i32
      %parallel_loop3A_149 = arith.constant 16 : i32
      scf.for %parallel_loop3A_174 = %parallel_loop3A_147 to %parallel_loop3A_148 step %parallel_loop3A_149  : i32 {
        %parallel_loop3A_175 = arith.index_cast %parallel_loop3A_174 : i32 to index
        %parallel_loop3A_176 = tpu.vector_load %arg16[%parallel_loop3A_175] {strides = array<i32>} : memref<4000xi32, #tpu.memory_space<vmem>>, vector<16xi32>,
        %parallel_loop3A_177 = arith.index_cast %parallel_loop3A_174 : i32 to index
        %parallel_loop3A_178 = tpu.vector_load %arg17[%parallel_loop3A_177] {strides = array<i32>} : memref<4000xi32, #tpu.memory_space<vmem>>, vector<16xi32>,
        %parallel_loop3A_179 = arith.index_cast %parallel_loop3A_174 : i32 to index
        %parallel_loop3A_180 = tpu.vector_load %arg18[%parallel_loop3A_179] {strides = array<i32>} : memref<4000xf32, #tpu.memory_space<vmem>>, vector<16xf32>,
        %parallel_loop3A_181 = tpu.vector_load_idx %arg12[%parallel_loop3A_176] : memref<10000xf32, #tpu.memory_space<vmem>>[vector<16xi32>], vector<16xf32>,
        %parallel_loop3A_182 = arith.mulf %parallel_loop3A_180, %parallel_loop3A_181 : vector<16xf32>
        tpu.vector_store_idx %arg8[%parallel_loop3A_178], %parallel_loop3A_182 {add = true} : memref<10000xf32, #tpu.memory_space<vmem>>[vector<16xi32>], vector<16xf32>,
        %parallel_loop3A_183 = tpu.vector_load_idx %arg13[%parallel_loop3A_176] : memref<10000xf32, #tpu.memory_space<vmem>>[vector<16xi32>], vector<16xf32>,
        %parallel_loop3A_184 = arith.mulf %parallel_loop3A_180, %parallel_loop3A_183 : vector<16xf32>
        tpu.vector_store_idx %arg9[%parallel_loop3A_178], %parallel_loop3A_184 {add = true} : memref<10000xf32, #tpu.memory_space<vmem>>[vector<16xi32>], vector<16xf32>,
        %parallel_loop3A_185 = tpu.vector_load_idx %arg14[%parallel_loop3A_176] : memref<10000xf32, #tpu.memory_space<vmem>>[vector<16xi32>], vector<16xf32>,
        %parallel_loop3A_186 = arith.mulf %parallel_loop3A_180, %parallel_loop3A_185 : vector<16xf32>
        tpu.vector_store_idx %arg10[%parallel_loop3A_178], %parallel_loop3A_186 {add = true} : memref<10000xf32, #tpu.memory_space<vmem>>[vector<16xi32>], vector<16xf32>,
        %parallel_loop3A_187 = tpu.vector_load_idx %arg15[%parallel_loop3A_176] : memref<10000xf32, #tpu.memory_space<vmem>>[vector<16xi32>], vector<16xf32>,
        %parallel_loop3A_188 = arith.mulf %parallel_loop3A_180, %parallel_loop3A_187 : vector<16xf32>
        tpu.vector_store_idx %arg11[%parallel_loop3A_178], %parallel_loop3A_188 {add = true} : memref<10000xf32, #tpu.memory_space<vmem>>[vector<16xi32>], vector<16xf32>,
      } {sc.loop_unroll_factor = 2 : i64, sc.parallel_access}
      %add3A_150 = arith.constant 8000 : i32
      %add3A_151 = arith.addi %mul3A_126, %add3A_150 : i32
      %min3A = arith.constant 316000 : i32
      %min3A_152 = arith.minsi %add3A_151, %min3A : i32
      %dma_start3A_153 = tpu.memref_slice %arg3[%min3A_152] : memref<320000xi32, #tpu.memory_space<hbm>> -> memref<4000xi32, #tpu.memory_space<hbm>>
      %dma_start3A_154 = tpu.memref_slice %arg3[%min3A_152] : memref<320000xi32, #tpu.memory_space<hbm>> -> memref<4000xi32, #tpu.memory_space<hbm>>
      tpu.enqueue_dma source(%dma_start3A_154 : memref<4000xi32, #tpu.memory_space<hbm>>) target(%arg16 : memref<4000xi32, #tpu.memory_space<vmem>>) target_semaphore(%arg22 : memref<!tpu.dma_semaphore, #tpu.memory_space<semaphore_mem>>)
      %dma_start3A_155 = tpu.memref_slice %arg4[%min3A_152] : memref<320000xi32, #tpu.memory_space<hbm>> -> memref<4000xi32, #tpu.memory_space<hbm>>
      %dma_start3A_156 = tpu.memref_slice %arg4[%min3A_152] : memref<320000xi32, #tpu.memory_space<hbm>> -> memref<4000xi32, #tpu.memory_space<hbm>>
      tpu.enqueue_dma source(%dma_start3A_156 : memref<4000xi32, #tpu.memory_space<hbm>>) target(%arg17 : memref<4000xi32, #tpu.memory_space<vmem>>) target_semaphore(%arg22 : memref<!tpu.dma_semaphore, #tpu.memory_space<semaphore_mem>>)
      %dma_start3A_157 = tpu.memref_slice %arg5[%min3A_152] : memref<320000xf32, #tpu.memory_space<hbm>> -> memref<4000xf32, #tpu.memory_space<hbm>>
      %dma_start3A_158 = tpu.memref_slice %arg5[%min3A_152] : memref<320000xf32, #tpu.memory_space<hbm>> -> memref<4000xf32, #tpu.memory_space<hbm>>
      tpu.enqueue_dma source(%dma_start3A_158 : memref<4000xf32, #tpu.memory_space<hbm>>) target(%arg18 : memref<4000xf32, #tpu.memory_space<vmem>>) target_semaphore(%arg22 : memref<!tpu.dma_semaphore, #tpu.memory_space<semaphore_mem>>)
      %dma_wait3A_159 = arith.constant 0 : i32
      %dma_wait3A_160 = tpu.memref_slice %arg3[%dma_wait3A_159] : memref<320000xi32, #tpu.memory_space<hbm>> -> memref<4000xi32, #tpu.memory_space<hbm>>
      %dma_wait3A_161 = arith.constant 0 : i32
      %dma_wait3A_162 = tpu.memref_slice %arg3[%dma_wait3A_161] : memref<320000xi32, #tpu.memory_space<hbm>> -> memref<4000xi32, #tpu.memory_space<hbm>>
      tpu.wait_dma2 semaphore(%arg23 : memref<!tpu.dma_semaphore, #tpu.memory_space<semaphore_mem>>) src(%dma_wait3A_162 : memref<4000xi32, #tpu.memory_space<hbm>>) dst(%arg19 : memref<4000xi32, #tpu.memory_space<vmem>>)
      %dma_wait3A_163 = arith.constant 0 : i32
      %dma_wait3A_164 = tpu.memref_slice %arg4[%dma_wait3A_163] : memref<320000xi32, #tpu.memory_space<hbm>> -> memref<4000xi32, #tpu.memory_space<hbm>>
      %dma_wait3A_165 = arith.constant 0 : i32
      %dma_wait3A_166 = tpu.memref_slice %arg4[%dma_wait3A_165] : memref<320000xi32, #tpu.memory_space<hbm>> -> memref<4000xi32, #tpu.memory_space<hbm>>
      tpu.wait_dma2 semaphore(%arg23 : memref<!tpu.dma_semaphore, #tpu.memory_space<semaphore_mem>>) src(%dma_wait3A_166 : memref<4000xi32, #tpu.memory_space<hbm>>) dst(%arg20 : memref<4000xi32, #tpu.memory_space<vmem>>)
      %dma_wait3A_167 = arith.constant 0 : i32
      %dma_wait3A_168 = tpu.memref_slice %arg5[%dma_wait3A_167] : memref<320000xf32, #tpu.memory_space<hbm>> -> memref<4000xf32, #tpu.memory_space<hbm>>
      %dma_wait3A_169 = arith.constant 0 : i32
      %dma_wait3A_170 = tpu.memref_slice %arg5[%dma_wait3A_169] : memref<320000xf32, #tpu.memory_space<hbm>> -> memref<4000xf32, #tpu.memory_space<hbm>>
      tpu.wait_dma2 semaphore(%arg23 : memref<!tpu.dma_semaphore, #tpu.memory_space<semaphore_mem>>) src(%dma_wait3A_170 : memref<4000xf32, #tpu.memory_space<hbm>>) dst(%arg21 : memref<4000xf32, #tpu.memory_space<vmem>>)
      %parallel_loop3A_171 = arith.constant 0 : i32
      %parallel_loop3A_172 = arith.constant 4000 : i32
      %parallel_loop3A_173 = arith.constant 16 : i32
      scf.for %parallel_loop3A_174 = %parallel_loop3A_171 to %parallel_loop3A_172 step %parallel_loop3A_173  : i32 {
        %parallel_loop3A_175 = arith.index_cast %parallel_loop3A_174 : i32 to index
        %parallel_loop3A_176 = tpu.vector_load %arg19[%parallel_loop3A_175] {strides = array<i32>} : memref<4000xi32, #tpu.memory_space<vmem>>, vector<16xi32>,
        %parallel_loop3A_177 = arith.index_cast %parallel_loop3A_174 : i32 to index
        %parallel_loop3A_178 = tpu.vector_load %arg20[%parallel_loop3A_177] {strides = array<i32>} : memref<4000xi32, #tpu.memory_space<vmem>>, vector<16xi32>,
        %parallel_loop3A_179 = arith.index_cast %parallel_loop3A_174 : i32 to index
        %parallel_loop3A_180 = tpu.vector_load %arg21[%parallel_loop3A_179] {strides = array<i32>} : memref<4000xf32, #tpu.memory_space<vmem>>, vector<16xf32>,
        %parallel_loop3A_181 = tpu.vector_load_idx %arg12[%parallel_loop3A_176] : memref<10000xf32, #tpu.memory_space<vmem>>[vector<16xi32>], vector<16xf32>,
        %parallel_loop3A_182 = arith.mulf %parallel_loop3A_180, %parallel_loop3A_181 : vector<16xf32>
        tpu.vector_store_idx %arg8[%parallel_loop3A_178], %parallel_loop3A_182 {add = true} : memref<10000xf32, #tpu.memory_space<vmem>>[vector<16xi32>], vector<16xf32>,
        %parallel_loop3A_183 = tpu.vector_load_idx %arg13[%parallel_loop3A_176] : memref<10000xf32, #tpu.memory_space<vmem>>[vector<16xi32>], vector<16xf32>,
        %parallel_loop3A_184 = arith.mulf %parallel_loop3A_180, %parallel_loop3A_183 : vector<16xf32>
        tpu.vector_store_idx %arg9[%parallel_loop3A_178], %parallel_loop3A_184 {add = true} : memref<10000xf32, #tpu.memory_space<vmem>>[vector<16xi32>], vector<16xf32>,
        %parallel_loop3A_185 = tpu.vector_load_idx %arg14[%parallel_loop3A_176] : memref<10000xf32, #tpu.memory_space<vmem>>[vector<16xi32>], vector<16xf32>,
        %parallel_loop3A_186 = arith.mulf %parallel_loop3A_180, %parallel_loop3A_185 : vector<16xf32>
        tpu.vector_store_idx %arg10[%parallel_loop3A_178], %parallel_loop3A_186 {add = true} : memref<10000xf32, #tpu.memory_space<vmem>>[vector<16xi32>], vector<16xf32>,
        %parallel_loop3A_187 = tpu.vector_load_idx %arg15[%parallel_loop3A_176] : memref<10000xf32, #tpu.memory_space<vmem>>[vector<16xi32>], vector<16xf32>,
        %parallel_loop3A_188 = arith.mulf %parallel_loop3A_180, %parallel_loop3A_187 : vector<16xf32>
        tpu.vector_store_idx %arg11[%parallel_loop3A_178], %parallel_loop3A_188 {add = true} : memref<10000xf32, #tpu.memory_space<vmem>>[vector<16xi32>], vector<16xf32>,
      } {sc.loop_unroll_factor = 2 : i64, sc.parallel_access}
    }
    %scan3A_99 = arith.constant 40 : i32
    %dma_wait3A_100 = arith.constant 0 : i32
    %dma_wait3A_101 = tpu.memref_slice %arg3[%dma_wait3A_100] : memref<320000xi32, #tpu.memory_space<hbm>> -> memref<4000xi32, #tpu.memory_space<hbm>>
    %dma_wait3A_102 = arith.constant 0 : i32
    %dma_wait3A_103 = tpu.memref_slice %arg3[%dma_wait3A_102] : memref<320000xi32, #tpu.memory_space<hbm>> -> memref<4000xi32, #tpu.memory_space<hbm>>
    tpu.wait_dma2 semaphore(%arg22 : memref<!tpu.dma_semaphore, #tpu.memory_space<semaphore_mem>>) src(%dma_wait3A_103 : memref<4000xi32, #tpu.memory_space<hbm>>) dst(%arg16 : memref<4000xi32, #tpu.memory_space<vmem>>)
    %dma_wait3A_104 = arith.constant 0 : i32
    %dma_wait3A_105 = tpu.memref_slice %arg4[%dma_wait3A_104] : memref<320000xi32, #tpu.memory_space<hbm>> -> memref<4000xi32, #tpu.memory_space<hbm>>
    %dma_wait3A_106 = arith.constant 0 : i32
    %dma_wait3A_107 = tpu.memref_slice %arg4[%dma_wait3A_106] : memref<320000xi32, #tpu.memory_space<hbm>> -> memref<4000xi32, #tpu.memory_space<hbm>>
    tpu.wait_dma2 semaphore(%arg22 : memref<!tpu.dma_semaphore, #tpu.memory_space<semaphore_mem>>) src(%dma_wait3A_107 : memref<4000xi32, #tpu.memory_space<hbm>>) dst(%arg17 : memref<4000xi32, #tpu.memory_space<vmem>>)
    %dma_wait3A_108 = arith.constant 0 : i32
    %dma_wait3A_109 = tpu.memref_slice %arg5[%dma_wait3A_108] : memref<320000xf32, #tpu.memory_space<hbm>> -> memref<4000xf32, #tpu.memory_space<hbm>>
    %dma_wait3A_110 = arith.constant 0 : i32
    %dma_wait3A_111 = tpu.memref_slice %arg5[%dma_wait3A_110] : memref<320000xf32, #tpu.memory_space<hbm>> -> memref<4000xf32, #tpu.memory_space<hbm>>
    tpu.wait_dma2 semaphore(%arg22 : memref<!tpu.dma_semaphore, #tpu.memory_space<semaphore_mem>>) src(%dma_wait3A_111 : memref<4000xf32, #tpu.memory_space<hbm>>) dst(%arg18 : memref<4000xf32, #tpu.memory_space<vmem>>)
    %add3A_112 = arith.constant 0 : i32
    %add3A_113 = arith.addi %mul3A_2, %add3A_112 : i32
    "tpu.region"() ({
      %run_scoped3A = tpu.sem_alloc : memref<!tpu.dma_semaphore, #tpu.memory_space<semaphore_mem>>
      %dma_start3A_120 = arith.constant 0 : i32
      %dma_start3A_121 = tpu.memref_slice %arg7[%add3A_113, %dma_start3A_120] : memref<128x10000xf32, #tpu.memory_space<hbm>> -> memref<1x10000xf32, #tpu.memory_space<hbm>>
      %dma_start3A_122 = tpu.memref_squeeze %dma_start3A_121 : memref<1x10000xf32, #tpu.memory_space<hbm>> -> memref<10000xf32, #tpu.memory_space<hbm>>
      %dma_start3A_123 = arith.constant 0 : i32
      %dma_start3A_124 = tpu.memref_slice %arg7[%add3A_113, %dma_start3A_123] : memref<128x10000xf32, #tpu.memory_space<hbm>> -> memref<1x10000xf32, #tpu.memory_space<hbm>>
      %dma_start3A_125 = tpu.memref_squeeze %dma_start3A_124 : memref<1x10000xf32, #tpu.memory_space<hbm>> -> memref<10000xf32, #tpu.memory_space<hbm>>
      tpu.enqueue_dma source(%arg8 : memref<10000xf32, #tpu.memory_space<vmem>>) target(%dma_start3A_125 : memref<10000xf32, #tpu.memory_space<hbm>>) target_semaphore(%run_scoped3A : memref<!tpu.dma_semaphore, #tpu.memory_space<semaphore_mem>>)
      %dma_wait3A_126 = arith.constant 0 : i32
      %dma_wait3A_127 = tpu.memref_slice %arg7[%add3A_113, %dma_wait3A_126] : memref<128x10000xf32, #tpu.memory_space<hbm>> -> memref<1x10000xf32, #tpu.memory_space<hbm>>
      %dma_wait3A_128 = tpu.memref_squeeze %dma_wait3A_127 : memref<1x10000xf32, #tpu.memory_space<hbm>> -> memref<10000xf32, #tpu.memory_space<hbm>>
      %dma_wait3A_129 = arith.constant 0 : i32
      %dma_wait3A_130 = tpu.memref_slice %arg7[%add3A_113, %dma_wait3A_129] : memref<128x10000xf32, #tpu.memory_space<hbm>> -> memref<1x10000xf32, #tpu.memory_space<hbm>>
      %dma_wait3A_131 = tpu.memref_squeeze %dma_wait3A_130 : memref<1x10000xf32, #tpu.memory_space<hbm>> -> memref<10000xf32, #tpu.memory_space<hbm>>
      tpu.wait_dma2 semaphore(%run_scoped3A : memref<!tpu.dma_semaphore, #tpu.memory_space<semaphore_mem>>) src(%arg8 : memref<10000xf32, #tpu.memory_space<vmem>>) dst(%dma_wait3A_131 : memref<10000xf32, #tpu.memory_space<hbm>>)
      tpu.yield
    }) : () -> ()
    %add3A_114 = arith.constant 1 : i32
    %add3A_115 = arith.addi %mul3A_2, %add3A_114 : i32
    "tpu.region"() ({
      %run_scoped3A = tpu.sem_alloc : memref<!tpu.dma_semaphore, #tpu.memory_space<semaphore_mem>>
      %dma_start3A_120 = arith.constant 0 : i32
      %dma_start3A_121 = tpu.memref_slice %arg7[%add3A_115, %dma_start3A_120] : memref<128x10000xf32, #tpu.memory_space<hbm>> -> memref<1x10000xf32, #tpu.memory_space<hbm>>
      %dma_start3A_122 = tpu.memref_squeeze %dma_start3A_121 : memref<1x10000xf32, #tpu.memory_space<hbm>> -> memref<10000xf32, #tpu.memory_space<hbm>>
      %dma_start3A_123 = arith.constant 0 : i32
      %dma_start3A_124 = tpu.memref_slice %arg7[%add3A_115, %dma_start3A_123] : memref<128x10000xf32, #tpu.memory_space<hbm>> -> memref<1x10000xf32, #tpu.memory_space<hbm>>
      %dma_start3A_125 = tpu.memref_squeeze %dma_start3A_124 : memref<1x10000xf32, #tpu.memory_space<hbm>> -> memref<10000xf32, #tpu.memory_space<hbm>>
      tpu.enqueue_dma source(%arg9 : memref<10000xf32, #tpu.memory_space<vmem>>) target(%dma_start3A_125 : memref<10000xf32, #tpu.memory_space<hbm>>) target_semaphore(%run_scoped3A : memref<!tpu.dma_semaphore, #tpu.memory_space<semaphore_mem>>)
      %dma_wait3A_126 = arith.constant 0 : i32
      %dma_wait3A_127 = tpu.memref_slice %arg7[%add3A_115, %dma_wait3A_126] : memref<128x10000xf32, #tpu.memory_space<hbm>> -> memref<1x10000xf32, #tpu.memory_space<hbm>>
      %dma_wait3A_128 = tpu.memref_squeeze %dma_wait3A_127 : memref<1x10000xf32, #tpu.memory_space<hbm>> -> memref<10000xf32, #tpu.memory_space<hbm>>
      %dma_wait3A_129 = arith.constant 0 : i32
      %dma_wait3A_130 = tpu.memref_slice %arg7[%add3A_115, %dma_wait3A_129] : memref<128x10000xf32, #tpu.memory_space<hbm>> -> memref<1x10000xf32, #tpu.memory_space<hbm>>
      %dma_wait3A_131 = tpu.memref_squeeze %dma_wait3A_130 : memref<1x10000xf32, #tpu.memory_space<hbm>> -> memref<10000xf32, #tpu.memory_space<hbm>>
      tpu.wait_dma2 semaphore(%run_scoped3A : memref<!tpu.dma_semaphore, #tpu.memory_space<semaphore_mem>>) src(%arg9 : memref<10000xf32, #tpu.memory_space<vmem>>) dst(%dma_wait3A_131 : memref<10000xf32, #tpu.memory_space<hbm>>)
      tpu.yield
    }) : () -> ()
    %add3A_116 = arith.constant 2 : i32
    %add3A_117 = arith.addi %mul3A_2, %add3A_116 : i32
    "tpu.region"() ({
      %run_scoped3A = tpu.sem_alloc : memref<!tpu.dma_semaphore, #tpu.memory_space<semaphore_mem>>
      %dma_start3A_120 = arith.constant 0 : i32
      %dma_start3A_121 = tpu.memref_slice %arg7[%add3A_117, %dma_start3A_120] : memref<128x10000xf32, #tpu.memory_space<hbm>> -> memref<1x10000xf32, #tpu.memory_space<hbm>>
      %dma_start3A_122 = tpu.memref_squeeze %dma_start3A_121 : memref<1x10000xf32, #tpu.memory_space<hbm>> -> memref<10000xf32, #tpu.memory_space<hbm>>
      %dma_start3A_123 = arith.constant 0 : i32
      %dma_start3A_124 = tpu.memref_slice %arg7[%add3A_117, %dma_start3A_123] : memref<128x10000xf32, #tpu.memory_space<hbm>> -> memref<1x10000xf32, #tpu.memory_space<hbm>>
      %dma_start3A_125 = tpu.memref_squeeze %dma_start3A_124 : memref<1x10000xf32, #tpu.memory_space<hbm>> -> memref<10000xf32, #tpu.memory_space<hbm>>
      tpu.enqueue_dma source(%arg10 : memref<10000xf32, #tpu.memory_space<vmem>>) target(%dma_start3A_125 : memref<10000xf32, #tpu.memory_space<hbm>>) target_semaphore(%run_scoped3A : memref<!tpu.dma_semaphore, #tpu.memory_space<semaphore_mem>>)
      %dma_wait3A_126 = arith.constant 0 : i32
      %dma_wait3A_127 = tpu.memref_slice %arg7[%add3A_117, %dma_wait3A_126] : memref<128x10000xf32, #tpu.memory_space<hbm>> -> memref<1x10000xf32, #tpu.memory_space<hbm>>
      %dma_wait3A_128 = tpu.memref_squeeze %dma_wait3A_127 : memref<1x10000xf32, #tpu.memory_space<hbm>> -> memref<10000xf32, #tpu.memory_space<hbm>>
      %dma_wait3A_129 = arith.constant 0 : i32
      %dma_wait3A_130 = tpu.memref_slice %arg7[%add3A_117, %dma_wait3A_129] : memref<128x10000xf32, #tpu.memory_space<hbm>> -> memref<1x10000xf32, #tpu.memory_space<hbm>>
      %dma_wait3A_131 = tpu.memref_squeeze %dma_wait3A_130 : memref<1x10000xf32, #tpu.memory_space<hbm>> -> memref<10000xf32, #tpu.memory_space<hbm>>
      tpu.wait_dma2 semaphore(%run_scoped3A : memref<!tpu.dma_semaphore, #tpu.memory_space<semaphore_mem>>) src(%arg10 : memref<10000xf32, #tpu.memory_space<vmem>>) dst(%dma_wait3A_131 : memref<10000xf32, #tpu.memory_space<hbm>>)
      tpu.yield
    }) : () -> ()
    %add3A_118 = arith.constant 3 : i32
    %add3A_119 = arith.addi %mul3A_2, %add3A_118 : i32
    "tpu.region"() ({
      %run_scoped3A = tpu.sem_alloc : memref<!tpu.dma_semaphore, #tpu.memory_space<semaphore_mem>>
      %dma_start3A_120 = arith.constant 0 : i32
      %dma_start3A_121 = tpu.memref_slice %arg7[%add3A_119, %dma_start3A_120] : memref<128x10000xf32, #tpu.memory_space<hbm>> -> memref<1x10000xf32, #tpu.memory_space<hbm>>
      %dma_start3A_122 = tpu.memref_squeeze %dma_start3A_121 : memref<1x10000xf32, #tpu.memory_space<hbm>> -> memref<10000xf32, #tpu.memory_space<hbm>>
      %dma_start3A_123 = arith.constant 0 : i32
      %dma_start3A_124 = tpu.memref_slice %arg7[%add3A_119, %dma_start3A_123] : memref<128x10000xf32, #tpu.memory_space<hbm>> -> memref<1x10000xf32, #tpu.memory_space<hbm>>
      %dma_start3A_125 = tpu.memref_squeeze %dma_start3A_124 : memref<1x10000xf32, #tpu.memory_space<hbm>> -> memref<10000xf32, #tpu.memory_space<hbm>>
      tpu.enqueue_dma source(%arg11 : memref<10000xf32, #tpu.memory_space<vmem>>) target(%dma_start3A_125 : memref<10000xf32, #tpu.memory_space<hbm>>) target_semaphore(%run_scoped3A : memref<!tpu.dma_semaphore, #tpu.memory_space<semaphore_mem>>)
      %dma_wait3A_126 = arith.constant 0 : i32
      %dma_wait3A_127 = tpu.memref_slice %arg7[%add3A_119, %dma_wait3A_126] : memref<128x10000xf32, #tpu.memory_space<hbm>> -> memref<1x10000xf32, #tpu.memory_space<hbm>>
      %dma_wait3A_128 = tpu.memref_squeeze %dma_wait3A_127 : memref<1x10000xf32, #tpu.memory_space<hbm>> -> memref<10000xf32, #tpu.memory_space<hbm>>
      %dma_wait3A_129 = arith.constant 0 : i32
      %dma_wait3A_130 = tpu.memref_slice %arg7[%add3A_119, %dma_wait3A_129] : memref<128x10000xf32, #tpu.memory_space<hbm>> -> memref<1x10000xf32, #tpu.memory_space<hbm>>
      %dma_wait3A_131 = tpu.memref_squeeze %dma_wait3A_130 : memref<1x10000xf32, #tpu.memory_space<hbm>> -> memref<10000xf32, #tpu.memory_space<hbm>>
      tpu.wait_dma2 semaphore(%run_scoped3A : memref<!tpu.dma_semaphore, #tpu.memory_space<semaphore_mem>>) src(%arg11 : memref<10000xf32, #tpu.memory_space<vmem>>) dst(%dma_wait3A_131 : memref<10000xf32, #tpu.memory_space<hbm>>)
      tpu.yield
    }) : () -> ()
    return
  }
}

#map = affine_map<(d0, d1) -> (0)>
module attributes {stable_mosaic.version = 14 : i64} {
  func.func @k(%arg0: i32, %arg1: i32, %arg2: memref<320000xi32, #tpu.memory_space<hbm>>, %arg3: memref<320000xi32, #tpu.memory_space<hbm>>, %arg4: memref<320000xf32, #tpu.memory_space<hbm>>, %arg5: memref<10000xf32, #tpu.memory_space<hbm>>, %arg6: memref<320000xf32, #tpu.memory_space<hbm>>, %arg7: memref<10000xi32, #tpu.memory_space<vmem>>, %arg8: memref<10000xi32, #tpu.memory_space<vmem>>, %arg9: memref<10000xf32, #tpu.memory_space<vmem>>, %arg10: memref<10000xf32, #tpu.memory_space<vmem>>, %arg11: memref<10000xf32, #tpu.memory_space<vmem>>) attributes {dimension_semantics = [#tpu.dimension_semantics<core_parallel>, #tpu.dimension_semantics<subcore_parallel>], iteration_bounds = array<i64: 2, 16>, scalar_prefetch = 0 : i64, scratch_operands = 5 : i64, tpu.core_type = #tpu.core_type<sc_vector_subcore>, window_params = [{transform_indices = #map}, {transform_indices = #map}, {transform_indices = #map}, {transform_indices = #map}, {transform_indices = #map}]} {
    %mul3A = arith.constant 16 : i32
    %mul3A_0 = arith.muli %arg0, %mul3A : i32
    %add3A = arith.addi %mul3A_0, %arg1 : i32
    %mul3A_1 = arith.constant 10000 : i32
    %mul3A_2 = arith.muli %add3A, %mul3A_1 : i32
    "tpu.region"() ({
      %run_scoped3A = tpu.sem_alloc : memref<!tpu.dma_semaphore, #tpu.memory_space<semaphore_mem>>
      %dma_start3A = tpu.memref_slice %arg2[%mul3A_2] : memref<320000xi32, #tpu.memory_space<hbm>> -> memref<10000xi32, #tpu.memory_space<hbm>>
      %dma_start3A_5 = tpu.memref_slice %arg2[%mul3A_2] : memref<320000xi32, #tpu.memory_space<hbm>> -> memref<10000xi32, #tpu.memory_space<hbm>>
      tpu.enqueue_dma source(%dma_start3A_5 : memref<10000xi32, #tpu.memory_space<hbm>>) target(%arg7 : memref<10000xi32, #tpu.memory_space<vmem>>) target_semaphore(%run_scoped3A : memref<!tpu.dma_semaphore, #tpu.memory_space<semaphore_mem>>)
      %dma_wait3A = tpu.memref_slice %arg2[%mul3A_2] : memref<320000xi32, #tpu.memory_space<hbm>> -> memref<10000xi32, #tpu.memory_space<hbm>>
      %dma_wait3A_6 = tpu.memref_slice %arg2[%mul3A_2] : memref<320000xi32, #tpu.memory_space<hbm>> -> memref<10000xi32, #tpu.memory_space<hbm>>
      tpu.wait_dma2 semaphore(%run_scoped3A : memref<!tpu.dma_semaphore, #tpu.memory_space<semaphore_mem>>) src(%dma_wait3A_6 : memref<10000xi32, #tpu.memory_space<hbm>>) dst(%arg7 : memref<10000xi32, #tpu.memory_space<vmem>>)
      tpu.yield
    }) : () -> ()
    "tpu.region"() ({
      %run_scoped3A = tpu.sem_alloc : memref<!tpu.dma_semaphore, #tpu.memory_space<semaphore_mem>>
      %dma_start3A = tpu.memref_slice %arg3[%mul3A_2] : memref<320000xi32, #tpu.memory_space<hbm>> -> memref<10000xi32, #tpu.memory_space<hbm>>
      %dma_start3A_5 = tpu.memref_slice %arg3[%mul3A_2] : memref<320000xi32, #tpu.memory_space<hbm>> -> memref<10000xi32, #tpu.memory_space<hbm>>
      tpu.enqueue_dma source(%dma_start3A_5 : memref<10000xi32, #tpu.memory_space<hbm>>) target(%arg8 : memref<10000xi32, #tpu.memory_space<vmem>>) target_semaphore(%run_scoped3A : memref<!tpu.dma_semaphore, #tpu.memory_space<semaphore_mem>>)
      %dma_wait3A = tpu.memref_slice %arg3[%mul3A_2] : memref<320000xi32, #tpu.memory_space<hbm>> -> memref<10000xi32, #tpu.memory_space<hbm>>
      %dma_wait3A_6 = tpu.memref_slice %arg3[%mul3A_2] : memref<320000xi32, #tpu.memory_space<hbm>> -> memref<10000xi32, #tpu.memory_space<hbm>>
      tpu.wait_dma2 semaphore(%run_scoped3A : memref<!tpu.dma_semaphore, #tpu.memory_space<semaphore_mem>>) src(%dma_wait3A_6 : memref<10000xi32, #tpu.memory_space<hbm>>) dst(%arg8 : memref<10000xi32, #tpu.memory_space<vmem>>)
      tpu.yield
    }) : () -> ()
    "tpu.region"() ({
      %run_scoped3A = tpu.sem_alloc : memref<!tpu.dma_semaphore, #tpu.memory_space<semaphore_mem>>
      %dma_start3A = tpu.memref_slice %arg4[%mul3A_2] : memref<320000xf32, #tpu.memory_space<hbm>> -> memref<10000xf32, #tpu.memory_space<hbm>>
      %dma_start3A_5 = tpu.memref_slice %arg4[%mul3A_2] : memref<320000xf32, #tpu.memory_space<hbm>> -> memref<10000xf32, #tpu.memory_space<hbm>>
      tpu.enqueue_dma source(%dma_start3A_5 : memref<10000xf32, #tpu.memory_space<hbm>>) target(%arg9 : memref<10000xf32, #tpu.memory_space<vmem>>) target_semaphore(%run_scoped3A : memref<!tpu.dma_semaphore, #tpu.memory_space<semaphore_mem>>)
      %dma_wait3A = tpu.memref_slice %arg4[%mul3A_2] : memref<320000xf32, #tpu.memory_space<hbm>> -> memref<10000xf32, #tpu.memory_space<hbm>>
      %dma_wait3A_6 = tpu.memref_slice %arg4[%mul3A_2] : memref<320000xf32, #tpu.memory_space<hbm>> -> memref<10000xf32, #tpu.memory_space<hbm>>
      tpu.wait_dma2 semaphore(%run_scoped3A : memref<!tpu.dma_semaphore, #tpu.memory_space<semaphore_mem>>) src(%dma_wait3A_6 : memref<10000xf32, #tpu.memory_space<hbm>>) dst(%arg9 : memref<10000xf32, #tpu.memory_space<vmem>>)
      tpu.yield
    }) : () -> ()
    "tpu.region"() ({
      %run_scoped3A = tpu.sem_alloc : memref<!tpu.dma_semaphore, #tpu.memory_space<semaphore_mem>>
      tpu.enqueue_dma source(%arg5 : memref<10000xf32, #tpu.memory_space<hbm>>) target(%arg11 : memref<10000xf32, #tpu.memory_space<vmem>>) target_semaphore(%run_scoped3A : memref<!tpu.dma_semaphore, #tpu.memory_space<semaphore_mem>>)
      tpu.wait_dma2 semaphore(%run_scoped3A : memref<!tpu.dma_semaphore, #tpu.memory_space<semaphore_mem>>) src(%arg5 : memref<10000xf32, #tpu.memory_space<hbm>>) dst(%arg11 : memref<10000xf32, #tpu.memory_space<vmem>>)
      tpu.yield
    }) : () -> ()
    %parallel_loop3A = arith.constant 0 : i32
    %parallel_loop3A_3 = arith.constant 10000 : i32
    %parallel_loop3A_4 = arith.constant 16 : i32
    scf.for %parallel_loop3A_5 = %parallel_loop3A to %parallel_loop3A_3 step %parallel_loop3A_4  : i32 {
      %parallel_loop3A_6 = arith.index_cast %parallel_loop3A_5 : i32 to index
      %parallel_loop3A_7 = tpu.vector_load %arg7[%parallel_loop3A_6] {strides = array<i32>} : memref<10000xi32, #tpu.memory_space<vmem>>, vector<16xi32>,
      %parallel_loop3A_8 = arith.index_cast %parallel_loop3A_5 : i32 to index
      %parallel_loop3A_9 = tpu.vector_load %arg8[%parallel_loop3A_8] {strides = array<i32>} : memref<10000xi32, #tpu.memory_space<vmem>>, vector<16xi32>,
      %parallel_loop3A_10 = arith.index_cast %parallel_loop3A_5 : i32 to index
      %parallel_loop3A_11 = tpu.vector_load %arg9[%parallel_loop3A_10] {strides = array<i32>} : memref<10000xf32, #tpu.memory_space<vmem>>, vector<16xf32>,
      %parallel_loop3A_12 = arith.cmpi eq, %parallel_loop3A_7, %parallel_loop3A_9 : vector<16xi32>
      %parallel_loop3A_13 = arith.constant 0.000000e+00 : f32
      %parallel_loop3A_14 = vector.broadcast %parallel_loop3A_13 : f32 to vector<16xf32>
      %parallel_loop3A_15 = arith.select %parallel_loop3A_12, %parallel_loop3A_14, %parallel_loop3A_11 : vector<16xi1>, vector<16xf32>
      %parallel_loop3A_16 = tpu.vector_load_idx %arg11[%parallel_loop3A_7] : memref<10000xf32, #tpu.memory_space<vmem>>[vector<16xi32>], vector<16xf32>,
      %parallel_loop3A_17 = tpu.vector_load_idx %arg11[%parallel_loop3A_9] : memref<10000xf32, #tpu.memory_space<vmem>>[vector<16xi32>], vector<16xf32>,
      %parallel_loop3A_18 = arith.mulf %parallel_loop3A_16, %parallel_loop3A_15 : vector<16xf32>
      %parallel_loop3A_19 = arith.mulf %parallel_loop3A_18, %parallel_loop3A_17 : vector<16xf32>
      %parallel_loop3A_20 = arith.index_cast %parallel_loop3A_5 : i32 to index
      %parallel_loop3A_21 = tpu.vector_load %arg10[%parallel_loop3A_20] {strides = array<i32>} : memref<10000xf32, #tpu.memory_space<vmem>>, vector<16xf32>,
      tpu.vector_store %arg10[%parallel_loop3A_20], %parallel_loop3A_19 {strides = array<i32>} : memref<10000xf32, #tpu.memory_space<vmem>>, vector<16xf32>,
    } {sc.loop_unroll_factor = 2 : i64, sc.parallel_access}
    "tpu.region"() ({
      %run_scoped3A = tpu.sem_alloc : memref<!tpu.dma_semaphore, #tpu.memory_space<semaphore_mem>>
      %dma_start3A = tpu.memref_slice %arg6[%mul3A_2] : memref<320000xf32, #tpu.memory_space<hbm>> -> memref<10000xf32, #tpu.memory_space<hbm>>
      %dma_start3A_5 = tpu.memref_slice %arg6[%mul3A_2] : memref<320000xf32, #tpu.memory_space<hbm>> -> memref<10000xf32, #tpu.memory_space<hbm>>
      tpu.enqueue_dma source(%arg10 : memref<10000xf32, #tpu.memory_space<vmem>>) target(%dma_start3A_5 : memref<10000xf32, #tpu.memory_space<hbm>>) target_semaphore(%run_scoped3A : memref<!tpu.dma_semaphore, #tpu.memory_space<semaphore_mem>>)
      %dma_wait3A = tpu.memref_slice %arg6[%mul3A_2] : memref<320000xf32, #tpu.memory_space<hbm>> -> memref<10000xf32, #tpu.memory_space<hbm>>
      %dma_wait3A_6 = tpu.memref_slice %arg6[%mul3A_2] : memref<320000xf32, #tpu.memory_space<hbm>> -> memref<10000xf32, #tpu.memory_space<hbm>>
      tpu.wait_dma2 semaphore(%run_scoped3A : memref<!tpu.dma_semaphore, #tpu.memory_space<semaphore_mem>>) src(%arg10 : memref<10000xf32, #tpu.memory_space<vmem>>) dst(%dma_wait3A_6 : memref<10000xf32, #tpu.memory_space<hbm>>)
      tpu.yield
    }) : () -> ()
    return
  }
}

#map = affine_map<(d0, d1) -> (0)>
#map1 = affine_map<(d0, d1) -> (0, 0)>
module attributes {stable_mosaic.version = 14 : i64} {
  func.func @k(%arg0: i32, %arg1: i32, %arg2: memref<320000xi32, #tpu.memory_space<hbm>>, %arg3: memref<320000xi32, #tpu.memory_space<hbm>>, %arg4: memref<320000xf32, #tpu.memory_space<hbm>>, %arg5: memref<32x10000xf32, #tpu.memory_space<hbm>>, %arg6: memref<10000xi32, #tpu.memory_space<vmem>>, %arg7: memref<10000xi32, #tpu.memory_space<vmem>>, %arg8: memref<10000xf32, #tpu.memory_space<vmem>>, %arg9: memref<10000xf32, #tpu.memory_space<vmem>>) attributes {dimension_semantics = [#tpu.dimension_semantics<core_parallel>, #tpu.dimension_semantics<subcore_parallel>], iteration_bounds = array<i64: 2, 16>, scalar_prefetch = 0 : i64, scratch_operands = 4 : i64, tpu.core_type = #tpu.core_type<sc_vector_subcore>, window_params = [{transform_indices = #map}, {transform_indices = #map}, {transform_indices = #map}, {transform_indices = #map1}]} {
    %mul3A = arith.constant 16 : i32
    %mul3A_0 = arith.muli %arg0, %mul3A : i32
    %add3A = arith.addi %mul3A_0, %arg1 : i32
    %mul3A_1 = arith.constant 10000 : i32
    %mul3A_2 = arith.muli %add3A, %mul3A_1 : i32
    "tpu.region"() ({
      %run_scoped3A = tpu.sem_alloc : memref<!tpu.dma_semaphore, #tpu.memory_space<semaphore_mem>>
      %dma_start3A = tpu.memref_slice %arg2[%mul3A_2] : memref<320000xi32, #tpu.memory_space<hbm>> -> memref<10000xi32, #tpu.memory_space<hbm>>
      %dma_start3A_9 = tpu.memref_slice %arg2[%mul3A_2] : memref<320000xi32, #tpu.memory_space<hbm>> -> memref<10000xi32, #tpu.memory_space<hbm>>
      tpu.enqueue_dma source(%dma_start3A_9 : memref<10000xi32, #tpu.memory_space<hbm>>) target(%arg6 : memref<10000xi32, #tpu.memory_space<vmem>>) target_semaphore(%run_scoped3A : memref<!tpu.dma_semaphore, #tpu.memory_space<semaphore_mem>>)
      %dma_wait3A = tpu.memref_slice %arg2[%mul3A_2] : memref<320000xi32, #tpu.memory_space<hbm>> -> memref<10000xi32, #tpu.memory_space<hbm>>
      %dma_wait3A_10 = tpu.memref_slice %arg2[%mul3A_2] : memref<320000xi32, #tpu.memory_space<hbm>> -> memref<10000xi32, #tpu.memory_space<hbm>>
      tpu.wait_dma2 semaphore(%run_scoped3A : memref<!tpu.dma_semaphore, #tpu.memory_space<semaphore_mem>>) src(%dma_wait3A_10 : memref<10000xi32, #tpu.memory_space<hbm>>) dst(%arg6 : memref<10000xi32, #tpu.memory_space<vmem>>)
      tpu.yield
    }) : () -> ()
    "tpu.region"() ({
      %run_scoped3A = tpu.sem_alloc : memref<!tpu.dma_semaphore, #tpu.memory_space<semaphore_mem>>
      %dma_start3A = tpu.memref_slice %arg3[%mul3A_2] : memref<320000xi32, #tpu.memory_space<hbm>> -> memref<10000xi32, #tpu.memory_space<hbm>>
      %dma_start3A_9 = tpu.memref_slice %arg3[%mul3A_2] : memref<320000xi32, #tpu.memory_space<hbm>> -> memref<10000xi32, #tpu.memory_space<hbm>>
      tpu.enqueue_dma source(%dma_start3A_9 : memref<10000xi32, #tpu.memory_space<hbm>>) target(%arg7 : memref<10000xi32, #tpu.memory_space<vmem>>) target_semaphore(%run_scoped3A : memref<!tpu.dma_semaphore, #tpu.memory_space<semaphore_mem>>)
      %dma_wait3A = tpu.memref_slice %arg3[%mul3A_2] : memref<320000xi32, #tpu.memory_space<hbm>> -> memref<10000xi32, #tpu.memory_space<hbm>>
      %dma_wait3A_10 = tpu.memref_slice %arg3[%mul3A_2] : memref<320000xi32, #tpu.memory_space<hbm>> -> memref<10000xi32, #tpu.memory_space<hbm>>
      tpu.wait_dma2 semaphore(%run_scoped3A : memref<!tpu.dma_semaphore, #tpu.memory_space<semaphore_mem>>) src(%dma_wait3A_10 : memref<10000xi32, #tpu.memory_space<hbm>>) dst(%arg7 : memref<10000xi32, #tpu.memory_space<vmem>>)
      tpu.yield
    }) : () -> ()
    "tpu.region"() ({
      %run_scoped3A = tpu.sem_alloc : memref<!tpu.dma_semaphore, #tpu.memory_space<semaphore_mem>>
      %dma_start3A = tpu.memref_slice %arg4[%mul3A_2] : memref<320000xf32, #tpu.memory_space<hbm>> -> memref<10000xf32, #tpu.memory_space<hbm>>
      %dma_start3A_9 = tpu.memref_slice %arg4[%mul3A_2] : memref<320000xf32, #tpu.memory_space<hbm>> -> memref<10000xf32, #tpu.memory_space<hbm>>
      tpu.enqueue_dma source(%dma_start3A_9 : memref<10000xf32, #tpu.memory_space<hbm>>) target(%arg8 : memref<10000xf32, #tpu.memory_space<vmem>>) target_semaphore(%run_scoped3A : memref<!tpu.dma_semaphore, #tpu.memory_space<semaphore_mem>>)
      %dma_wait3A = tpu.memref_slice %arg4[%mul3A_2] : memref<320000xf32, #tpu.memory_space<hbm>> -> memref<10000xf32, #tpu.memory_space<hbm>>
      %dma_wait3A_10 = tpu.memref_slice %arg4[%mul3A_2] : memref<320000xf32, #tpu.memory_space<hbm>> -> memref<10000xf32, #tpu.memory_space<hbm>>
      tpu.wait_dma2 semaphore(%run_scoped3A : memref<!tpu.dma_semaphore, #tpu.memory_space<semaphore_mem>>) src(%dma_wait3A_10 : memref<10000xf32, #tpu.memory_space<hbm>>) dst(%arg8 : memref<10000xf32, #tpu.memory_space<vmem>>)
      tpu.yield
    }) : () -> ()
    %broadcast_in_dim3A = arith.constant 0.000000e+00 : f32
    %broadcast_in_dim3A_3 = vector.broadcast %broadcast_in_dim3A : f32 to vector<16xf32>
    %parallel_loop3A = arith.constant 0 : i32
    %parallel_loop3A_4 = arith.constant 10000 : i32
    %parallel_loop3A_5 = arith.constant 16 : i32
    scf.for %parallel_loop3A_9 = %parallel_loop3A to %parallel_loop3A_4 step %parallel_loop3A_5  : i32 {
      %parallel_loop3A_10 = arith.index_cast %parallel_loop3A_9 : i32 to index
      %parallel_loop3A_11 = tpu.vector_load %arg9[%parallel_loop3A_10] {strides = array<i32>} : memref<10000xf32, #tpu.memory_space<vmem>>, vector<16xf32>,
      tpu.vector_store %arg9[%parallel_loop3A_10], %broadcast_in_dim3A_3 {strides = array<i32>} : memref<10000xf32, #tpu.memory_space<vmem>>, vector<16xf32>,
    } {sc.loop_unroll_factor = 2 : i64, sc.parallel_access}
    %parallel_loop3A_6 = arith.constant 0 : i32
    %parallel_loop3A_7 = arith.constant 10000 : i32
    %parallel_loop3A_8 = arith.constant 16 : i32
    scf.for %parallel_loop3A_9 = %parallel_loop3A_6 to %parallel_loop3A_7 step %parallel_loop3A_8  : i32 {
      %parallel_loop3A_10 = arith.index_cast %parallel_loop3A_9 : i32 to index
      %parallel_loop3A_11 = tpu.vector_load %arg6[%parallel_loop3A_10] {strides = array<i32>} : memref<10000xi32, #tpu.memory_space<vmem>>, vector<16xi32>,
      %parallel_loop3A_12 = arith.index_cast %parallel_loop3A_9 : i32 to index
      %parallel_loop3A_13 = tpu.vector_load %arg7[%parallel_loop3A_12] {strides = array<i32>} : memref<10000xi32, #tpu.memory_space<vmem>>, vector<16xi32>,
      %parallel_loop3A_14 = arith.index_cast %parallel_loop3A_9 : i32 to index
      %parallel_loop3A_15 = tpu.vector_load %arg8[%parallel_loop3A_14] {strides = array<i32>} : memref<10000xf32, #tpu.memory_space<vmem>>, vector<16xf32>,
      %parallel_loop3A_16 = arith.cmpi eq, %parallel_loop3A_11, %parallel_loop3A_13 : vector<16xi32>
      %parallel_loop3A_17 = arith.constant 0.000000e+00 : f32
      %parallel_loop3A_18 = vector.broadcast %parallel_loop3A_17 : f32 to vector<16xf32>
      %parallel_loop3A_19 = arith.select %parallel_loop3A_16, %parallel_loop3A_18, %parallel_loop3A_15 : vector<16xi1>, vector<16xf32>
      tpu.vector_store_idx %arg9[%parallel_loop3A_11], %parallel_loop3A_19 {add = true} : memref<10000xf32, #tpu.memory_space<vmem>>[vector<16xi32>], vector<16xf32>,
    } {sc.loop_unroll_factor = 2 : i64, sc.parallel_access}
    "tpu.region"() ({
      %run_scoped3A = tpu.sem_alloc : memref<!tpu.dma_semaphore, #tpu.memory_space<semaphore_mem>>
      %dma_start3A = arith.constant 0 : i32
      %dma_start3A_9 = tpu.memref_slice %arg5[%add3A, %dma_start3A] : memref<32x10000xf32, #tpu.memory_space<hbm>> -> memref<1x10000xf32, #tpu.memory_space<hbm>>
      %dma_start3A_10 = tpu.memref_squeeze %dma_start3A_9 : memref<1x10000xf32, #tpu.memory_space<hbm>> -> memref<10000xf32, #tpu.memory_space<hbm>>
      %dma_start3A_11 = arith.constant 0 : i32
      %dma_start3A_12 = tpu.memref_slice %arg5[%add3A, %dma_start3A_11] : memref<32x10000xf32, #tpu.memory_space<hbm>> -> memref<1x10000xf32, #tpu.memory_space<hbm>>
      %dma_start3A_13 = tpu.memref_squeeze %dma_start3A_12 : memref<1x10000xf32, #tpu.memory_space<hbm>> -> memref<10000xf32, #tpu.memory_space<hbm>>
      tpu.enqueue_dma source(%arg9 : memref<10000xf32, #tpu.memory_space<vmem>>) target(%dma_start3A_13 : memref<10000xf32, #tpu.memory_space<hbm>>) target_semaphore(%run_scoped3A : memref<!tpu.dma_semaphore, #tpu.memory_space<semaphore_mem>>)
      %dma_wait3A = arith.constant 0 : i32
      %dma_wait3A_14 = tpu.memref_slice %arg5[%add3A, %dma_wait3A] : memref<32x10000xf32, #tpu.memory_space<hbm>> -> memref<1x10000xf32, #tpu.memory_space<hbm>>
      %dma_wait3A_15 = tpu.memref_squeeze %dma_wait3A_14 : memref<1x10000xf32, #tpu.memory_space<hbm>> -> memref<10000xf32, #tpu.memory_space<hbm>>
      %dma_wait3A_16 = arith.constant 0 : i32
      %dma_wait3A_17 = tpu.memref_slice %arg5[%add3A, %dma_wait3A_16] : memref<32x10000xf32, #tpu.memory_space<hbm>> -> memref<1x10000xf32, #tpu.memory_space<hbm>>
      %dma_wait3A_18 = tpu.memref_squeeze %dma_wait3A_17 : memref<1x10000xf32, #tpu.memory_space<hbm>> -> memref<10000xf32, #tpu.memory_space<hbm>>
      tpu.wait_dma2 semaphore(%run_scoped3A : memref<!tpu.dma_semaphore, #tpu.memory_space<semaphore_mem>>) src(%arg9 : memref<10000xf32, #tpu.memory_space<vmem>>) dst(%dma_wait3A_18 : memref<10000xf32, #tpu.memory_space<hbm>>)
      tpu.yield
    }) : () -> ()
    return
  }
}

module attributes {stable_mosaic.version = 14 : i64} {
  func.func @body(%arg0: i32, %arg1: memref<2048x128xf32, #tpu.memory_space<vmem>>, %arg2: memref<128x2048xf32, #tpu.memory_space<vmem>>, %arg3: memref<128x2048xf32, #tpu.memory_space<vmem>>, %arg4: memref<3x128x128xf32, #tpu.memory_space<vmem>>, %arg5: memref<1x128xf32, #tpu.memory_space<vmem>>, %arg6: memref<2048x128xf32, #tpu.memory_space<vmem>>) attributes {dimension_semantics = [#tpu.dimension_semantics<arbitrary>], iteration_bounds = array<i64: 5>, scalar_prefetch = 0 : i64, scratch_operands = 0 : i64, tpu.core_type = #tpu.core_type<tc>, window_params = [{transform_indices = @transform_0, window_bounds = array<i64: 2048, 128>}, {transform_indices = @transform_1, window_bounds = array<i64: 128, 2048>}, {transform_indices = @transform_2, window_bounds = array<i64: 128, 2048>}, {pipeline_mode = #tpu.pipeline_mode<synchronous>, transform_indices = @transform_3, window_bounds = array<i64: 3, 128, 128>}, {pipeline_mode = #tpu.pipeline_mode<synchronous>, transform_indices = @transform_4, window_bounds = array<i64: 1, 128>}, {transform_indices = @transform_5, window_bounds = array<i64: 2048, 128>}]} {
    %get3A = arith.constant 0 : index
    %get3A_0 = arith.constant 0 : index
    %get3A_1 = arith.constant 0 : index
    %get3A_2 = vector.load %arg4[%get3A, %get3A_0, %get3A_1] : memref<3x128x128xf32, #tpu.memory_space<vmem>>, vector<1x128x128xf32>
    %get3A_3 = vector.shape_cast %get3A_2 : vector<1x128x128xf32> to vector<128x128xf32>
    %get3A_4 = arith.constant 2 : index
    %get3A_5 = arith.constant 0 : index
    %get3A_6 = arith.constant 0 : index
    %get3A_7 = vector.load %arg4[%get3A_4, %get3A_5, %get3A_6] : memref<3x128x128xf32, #tpu.memory_space<vmem>>, vector<1x128x128xf32>
    %get3A_8 = vector.shape_cast %get3A_7 : vector<1x128x128xf32> to vector<128x128xf32>
    %sub3A = arith.subf %get3A_3, %get3A_8 : vector<128x128xf32>
    %get3A_9 = arith.constant 0 : index
    %get3A_10 = arith.constant 0 : index
    %get3A_11 = vector.load %arg1[%get3A_9, %get3A_10] : memref<2048x128xf32, #tpu.memory_space<vmem>>, vector<2048x128xf32>
    %dot_general3A = arith.constant dense<0.000000e+00> : vector<2048x128xf32>
    %dot_general3A_12 = tpu.matmul %get3A_11, %sub3A, %dot_general3A {dimension_numbers = #tpu.dot_dimension_numbers<[1], [0], [0], [1], [0, 0, 1, 1], [], []>, precision = #tpu.contract_precision<fp32>, transpose_lhs_hint = false} : vector<2048x128xf32>, vector<128x128xf32>, vector<2048x128xf32> -> vector<2048x128xf32>
    %get3A_13 = arith.constant 0 : index
    %get3A_14 = arith.constant 0 : index
    %get3A_15 = vector.load %arg2[%get3A_13, %get3A_14] : memref<128x2048xf32, #tpu.memory_space<vmem>>, vector<128x2048xf32>
    %get3A_16 = arith.constant 1 : index
    %get3A_17 = arith.constant 0 : index
    %get3A_18 = arith.constant 0 : index
    %get3A_19 = vector.load %arg4[%get3A_16, %get3A_17, %get3A_18] : memref<3x128x128xf32, #tpu.memory_space<vmem>>, vector<1x128x128xf32>
    %get3A_20 = vector.shape_cast %get3A_19 : vector<1x128x128xf32> to vector<128x128xf32>
    %dot_general3A_21 = arith.constant dense<0.000000e+00> : vector<2048x128xf32>
    %dot_general3A_22 = tpu.matmul %get3A_15, %get3A_20, %dot_general3A_21 {dimension_numbers = #tpu.dot_dimension_numbers<[0], [0], [1], [1], [0, 1, 1, 1], [], []>, precision = #tpu.contract_precision<fp32>, transpose_lhs_hint = false} : vector<128x2048xf32>, vector<128x128xf32>, vector<2048x128xf32> -> vector<2048x128xf32>
    %sub3A_23 = arith.subf %dot_general3A_12, %dot_general3A_22 : vector<2048x128xf32>
    %get3A_24 = arith.constant 0 : index
    %get3A_25 = arith.constant 0 : index
    %get3A_26 = vector.load %arg3[%get3A_24, %get3A_25] : memref<128x2048xf32, #tpu.memory_space<vmem>>, vector<128x2048xf32>
    %get3A_27 = arith.constant 2 : index
    %get3A_28 = arith.constant 0 : index
    %get3A_29 = arith.constant 0 : index
    %get3A_30 = vector.load %arg4[%get3A_27, %get3A_28, %get3A_29] : memref<3x128x128xf32, #tpu.memory_space<vmem>>, vector<1x128x128xf32>
    %get3A_31 = vector.shape_cast %get3A_30 : vector<1x128x128xf32> to vector<128x128xf32>
    %dot_general3A_32 = arith.constant dense<0.000000e+00> : vector<2048x128xf32>
    %dot_general3A_33 = tpu.matmul %get3A_26, %get3A_31, %dot_general3A_32 {dimension_numbers = #tpu.dot_dimension_numbers<[0], [0], [1], [1], [0, 1, 1, 1], [], []>, precision = #tpu.contract_precision<fp32>, transpose_lhs_hint = false} : vector<128x2048xf32>, vector<128x128xf32>, vector<2048x128xf32> -> vector<2048x128xf32>
    %mul3A = arith.constant 2.000000e+00 : f32
    %mul3A_34 = vector.broadcast %mul3A : f32 to vector<2048x128xf32>
    %mul3A_35 = arith.mulf %mul3A_34, %dot_general3A_33 : vector<2048x128xf32>
    %add3A = arith.addf %sub3A_23, %mul3A_35 : vector<2048x128xf32>
    %get3A_36 = arith.constant 0 : index
    %get3A_37 = arith.constant 0 : index
    %get3A_38 = vector.load %arg5[%get3A_36, %get3A_37] : memref<1x128xf32, #tpu.memory_space<vmem>>, vector<1x128xf32>
    %add3A_39 = vector.broadcast %get3A_38 : vector<1x128xf32> to vector<2048x128xf32>
    %add3A_40 = arith.addf %add3A, %add3A_39 : vector<2048x128xf32>
    %swap3A = arith.constant 0 : index
    %swap3A_41 = arith.constant 0 : index
    %swap3A_42 = vector.load %arg6[%swap3A, %swap3A_41] : memref<2048x128xf32, #tpu.memory_space<vmem>>, vector<2048x128xf32>
    tpu.vector_store %arg6[%swap3A, %swap3A_41], %add3A_40 {strides = array<i32>} : memref<2048x128xf32, #tpu.memory_space<vmem>>, vector<2048x128xf32>,
    return
  }
  func.func @transform_0(%arg0: i32) -> (i32, i32) {
    %c0_i32 = arith.constant 0 : i32
    %c0_i32_0 = arith.constant 0 : i32
    return %arg0, %c0_i32 : i32, i32
  }
  func.func @transform_1(%arg0: i32) -> (i32, i32) {
    %c0_i32 = arith.constant 0 : i32
    %c0_i32_0 = arith.constant 0 : i32
    return %c0_i32, %arg0 : i32, i32
  }
  func.func @transform_2(%arg0: i32) -> (i32, i32) {
    %c0_i32 = arith.constant 0 : i32
    %c0_i32_0 = arith.constant 0 : i32
    return %c0_i32, %arg0 : i32, i32
  }
  func.func @transform_3(%arg0: i32) -> (i32, i32, i32) {
    %c0_i32 = arith.constant 0 : i32
    %c0_i32_0 = arith.constant 0 : i32
    %c0_i32_1 = arith.constant 0 : i32
    %c0_i32_2 = arith.constant 0 : i32
    return %c0_i32, %c0_i32_0, %c0_i32_1 : i32, i32, i32
  }
  func.func @transform_4(%arg0: i32) -> (i32, i32) {
    %c0_i32 = arith.constant 0 : i32
    %c0_i32_0 = arith.constant 0 : i32
    %c0_i32_1 = arith.constant 0 : i32
    return %c0_i32, %c0_i32_0 : i32, i32
  }
  func.func @transform_5(%arg0: i32) -> (i32, i32) {
    %c0_i32 = arith.constant 0 : i32
    %c0_i32_0 = arith.constant 0 : i32
    return %arg0, %c0_i32 : i32, i32
  }
}

</mosaic_0001>

<sc_bundles>
// kernel: kernel.12.cloned.1.call-start
scs
__scs_entry_jumppad:
0x0: {  	(pc) =	sbr.rel $0x88, $3  }
0x1: {  	(tag) =	ssettag $0x0;
	lr =	simm.s32 $0x1  }
0x2: {  	[smem:$0x3F9C] =	sst lr;
	_ =	strace $0xD0000000  }
0x3: {  	_ = 	snop  }
0x4: {  	_ = 	snop  }
0x5: {  	_ = 	snop  }
0x6: {  	_ = 	snop  }
0x7: {  	_ = 	snop  }
__scs_overlays_trampoline_lowered:
0x8: {  	[smem:$0x3FAB] =	sst s0  }
0x9: {  	[smem:$0x3FAC] =	sst s1  }
0xa: {  	[smem:$0x3FAD] =	sst s2  }
0xb: {  	[smem:$0x3FAE] =	sst s3  }
0xc: {  	[smem:$0x3FAF] =	sst s4  }
0xd: {  	[smem:$0x3FB0] =	sst s5  }
0xe: {  	[smem:$0x3FB1] =	sst s6  }
0xf: {  	[smem:$0x3FB2] =	sst s7  }
0x10: {  	[smem:$0x3FB3] =	sst s8  }
0x11: {  	[smem:$0x3FB4] =	sst s9;
	s0 =	simm.s32 @!p0 $0x0  }
0x12: {  	s1 =	sld [smem:$0x3F9A];
	s0 =	simm.s32 @p0 $0x1  }
0x13: {  	[smem:$0x3FB5] =	sst s0;
	s0 =	simm.s32 @!p1 $0x0  }
0x14: {  	s2 =	sld [smem:$0x3F99];
	s0 =	simm.s32 @p1 $0x1  }
0x15: {  	[smem:$0x3FB6] =	sst s0;
	s0 =	simm.s32 @!p2 $0x0  }
0x16: {  	s3 =	sld [smem:$0x3FDB];
	s0 =	simm.s32 @p2 $0x1  }
0x17: {  	s4 =	simm.s32 $0x1BF5;
	[smem:$0x3FB8] =	sst s0  }
0x18: {  	s0 =	sld [smem:$0x3F9B];
	_ =	swait.ge [sflag:s4], $0x0  }
0x19: {  	s7 =	sld [smem:$0x3F9C]  }
0x1a: {  	s8 =	sadd.s32 $0xFFFFE003, lr  }
0x1b: {  	s9 =	sadd.s32 $0xFFFFFEF7, lr;
	s5 =	simm.s32 $0xFFFFFFFF;
	p2 =	slt.u32 s8, $0xFFFFF086  }
0x1c: {  	p1 =	slt.u32 s9, $0xF7A;
	s5 =	simm.s32 @!p2 $0x0  }
0x1d: {  	s5 =	simm.s32 @p1 $0x1;
	p0 =	seq.s32 s7, s2  }
0x1e: {  	s7 =	smul.u32 @!p0 $0xF7A, s2;
	p2 =	seq.s32 @!p0 s5, $0x0  }
0x1f: {  	s9 =	smul.u32 $0xF7A, s1;
	s8 =	simm.s32 @!p0 $0x1BF5;
	p2 =	por !p2, p0  }
0x20: {  	[sflag:s8] =	ssyncset.s32 @!p0 $0xFFFFF086;
	s6 =	sadd.s32 @!p0 s3, s7;
	s7 =	simm.s32 @!p0 $0x108  }
0x21: {  	s3 =	sadd.s32 s3, s9;
	s6 =	sadd.s32 @!p0 $0x88, s6;
	s7 =	simm.s32 @p2 $0x1082  }
0x22: {  	[simem:s7], [sflag:s8] =	dma.local @!p0 [hbm:s6], $0xF7A  }
0x23: {  	s9 =	sor.u32 $0xD0000000, s2;
	s6 =	simm.s32 $0x108;
	_ =	swait.ge @!p0 [sflag:s8], $0x0  }
0x24: {  	s3 =	sadd.s32 $0x88, s3;
	s6 =	simm.s32 @!p1 $0x1082;
	[sflag:s4] =	ssyncset.s32 $0xFFFFF086  }
0x25: {  	[simem:s6], [sflag:s4] =	dma.local [hbm:s3], $0xF7A  }
0x26: {  	[smem:$0x3F9C] =	sst s1;
	(tag) =	ssettag s2;
	_ =	strace s9  }
0x27: {  	s1 =	sld [smem:$0x3FAC]  }
0x28: {  	s2 =	sld [smem:$0x3FAD]  }
0x29: {  	s4 =	sld [smem:$0x3FAF]  }
0x2a: {  	p0 =	seq.s32 s5, $0x0;
	s5 =	sld [smem:$0x3FB0]  }
0x2b: {  	s6 =	sld [smem:$0x3FB1]  }
0x2c: {  	s7 =	sld [smem:$0x3FB2]  }
0x2d: {  	s3 =	simm.s32 $0x108;
	s8 =	sld [smem:$0x3FB3]  }
0x2e: {  	s3 =	simm.s32 @!p0 $0x1082;
	s9 =	sld [smem:$0x3FB4]  }
0x2f: {  	lr =	sadd.s32 s0, s3;
	s0 =	sld [smem:$0x3FAB]  }
0x30: {  	s3 =	sld [smem:$0x3FAE]  }
0x31: {  	[smem:$0x3FB7] =	sst s10  }
0x32: {  	s10 =	sld [smem:$0x3FB5];
	_ =	sdelay $0x3  }
0x33: {  	p0 =	seq.s32 s10, $0x1;
	s10 =	sld [smem:$0x3FB7];
	_ =	sdelay $0x3  }
0x34: {  	[smem:$0x3FB7] =	sst s10  }
0x35: {  	s10 =	sld [smem:$0x3FB6];
	_ =	sdelay $0x3  }
0x36: {  	p1 =	seq.s32 s10, $0x1;
	s10 =	sld [smem:$0x3FB7];
	_ =	sdelay $0x3  }
0x37: {  	[smem:$0x3FB7] =	sst s10  }
0x38: {  	s10 =	sld [smem:$0x3FB8]  }
0x39: {  	_ = 	snop;
	(pc) =	sbr.ind lr, $3  }
0x3a: {  	_ = 	snop  }
0x3b: {  	_ = 	snop  }
0x3c: {  	p2 =	seq.s32 s10, $0x1;
	s10 =	sld [smem:$0x3FB7]  }
0x3d: {  	_ =	shalt  }
0x3e: {  	_ =	shalt  }
0x3f: {  	_ =	shalt  }
0x40: {  	_ =	shalt  }
0x41: {  	_ =	shalt  }
0x42: {  	_ =	shalt  }
0x43: {  	_ =	shalt  }
0x44: {  	_ =	shalt  }
0x45: {  	_ =	shalt  }
0x46: {  	_ =	shalt  }
0x47: {  	_ =	shalt  }
0x48: {  	_ =	shalt  }
0x49: {  	_ =	shalt  }
0x4a: {  	_ =	shalt  }
0x4b: {  	_ =	shalt  }
0x4c: {  	_ =	shalt  }
0x4d: {  	_ =	shalt  }
0x4e: {  	_ =	shalt  }
0x4f: {  	_ =	shalt  }
0x50: {  	_ =	shalt  }
0x51: {  	_ =	shalt  }
0x52: {  	_ =	shalt  }
0x53: {  	_ =	shalt  }
0x54: {  	_ =	shalt  }
0x55: {  	_ =	shalt  }
0x56: {  	_ =	shalt  }
0x57: {  	_ =	shalt  }
0x58: {  	_ =	shalt  }
0x59: {  	_ =	shalt  }
0x5a: {  	_ =	shalt  }
0x5b: {  	_ =	shalt  }
0x5c: {  	_ =	shalt  }
0x5d: {  	_ =	shalt  }
0x5e: {  	_ =	shalt  }
0x5f: {  	_ =	shalt  }
0x60: {  	_ =	shalt  }
0x61: {  	_ =	shalt  }
0x62: {  	_ =	shalt  }
0x63: {  	_ =	shalt  }
0x64: {  	_ =	shalt  }
0x65: {  	_ =	shalt  }
0x66: {  	_ =	shalt  }
0x67: {  	_ =	shalt  }
0x68: {  	_ =	shalt  }
0x69: {  	_ =	shalt  }
0x6a: {  	_ =	shalt  }
0x6b: {  	_ =	shalt  }
0x6c: {  	_ =	shalt  }
0x6d: {  	_ =	shalt  }
0x6e: {  	_ =	shalt  }
0x6f: {  	_ =	shalt  }
0x70: {  	_ =	shalt  }
0x71: {  	_ =	shalt  }
0x72: {  	_ =	shalt  }
0x73: {  	_ =	shalt  }
0x74: {  	_ =	shalt  }
0x75: {  	_ =	shalt  }
0x76: {  	_ =	shalt  }
0x77: {  	_ =	shalt  }
0x78: {  	_ =	shalt  }
0x79: {  	_ =	shalt  }
0x7a: {  	_ =	shalt  }
0x7b: {  	_ =	shalt  }
0x7c: {  	_ =	shalt  }
0x7d: {  	_ =	shalt  }
0x7e: {  	_ =	shalt  }
0x7f: {  	_ =	shalt  }
0x80: {  	_ =	shalt  }
0x81: {  	_ =	shalt  }
0x82: {  	_ =	shalt  }
0x83: {  	_ =	shalt  }
0x84: {  	_ =	shalt  }
0x85: {  	_ =	shalt  }
0x86: {  	_ =	shalt  }
0x87: {  	_ =	shalt  }
.Lfunc_end0:
.L_simem_size_0:
called_computation.2_lowered:
.L_overlay_start_0:
0x88: {  	s2 =	sld [smem:$0x3FD9]  }
0x89: {  	s3 =	sld [smem:$0x3FFE];
	_ =	sdelay $0x1  }
0x8a: {  	s1 =	srdreg.scid  }
0x8b: {  	s0 =	sand.u32 $0x1, s1  }
0x8c: {  	s17 =	sshll.u32 s0, $0xA;
	s2 =	sadd.s32 s3, s2  }
0x8d: {  	s2 =	sadd.s32 s2, s17  }
0x8e: {  	[smem:$0x3FC3] =	sst s2  }
0x8f: {  	_ = 	snop  }
0x90: {  	s2 =	sld [smem:$0x3FD0];
	(tm) =	ssettm $0x1  }
0x91: {  	s18 =	sld [smem:$0x3FFB];
	_ =	sdelay $0x3  }
0x92: {  	_ =	strace s18  }
0x93: {  	s3 =	sld [smem:$0x3FFC];
	_ =	sdelay $0x3  }
0x94: {  	_ =	strace s3  }
0x95: {  	s3 =	sld [smem:$0x3FFD];
	_ =	sdelay $0x3  }
0x96: {  	_ =	strace s3  }
0x97: {  	_ =	strace $0x8FFFFFFF  }
0x98: {  	s19 =	sld [smem:$0x3FDB];
	_ =	sdelay $0x1  }
0x99: {  	s4 =	simm.s32 $_scs_section_size  }
0x9a: {  	s5 =	simm.s32 $_size__tile_overlayer_lowered;
	s6 =	simm.s32 $_tile_overlayer_lowered  }
0x9b: {  	s22 =	simm.s32 $0x1BFF;
	s21 =	sshll.u32 s6, $0x1;
	s3 =	sadd.s32 s4, s19  }
0x9c: {  	s7 =	simm.s32 $0x0;
	s20 =	sshll.u32 s5, $0x1;
	s5 =	sadd.s32 s21, s3  }
0x9d: {  	[timem:s7], [sflag:s22] =	dma.local [hbm:s5], s20  }
0x9e: {  	_ =	swait.ge [sflag:s22], s20  }
0x9f: {  	s4 =	ssub.s32 $0x0, s20;
	[sflag:s22] =	ssyncset.done $0x0  }
0xa0: {  	[sflag:s22] =	ssyncadd.s32 s4;
	_ =	sdelay $0x1  }
0xa1: {  	s23 =	simm.s32 $0x1B8B  }
0xa2: {  	_ =	swait.ge [sflag:s23], $0x1  }
0xa3: {  	[sflag:s23] =	ssyncset.done $0x0  }
0xa4: {  	s25 =	simm.s32 $0x1B8E;
	s24 =	sld [smem:$0x3FFE];
	[sflag:s23] =	ssyncadd.s32 $0xFFFFFFFF  }
0xa5: {  	s26 =	simm.s32 $execute0_lowered;
	[smem:$0x3FD2] =	sst s25  }
0xa6: {  	s5 =	sshll.u32 s26, $0x1;
	_ =	strace $0x8000004C;
	[dreg:$0x1] =	wrdreg $0xFFFFFFFF  }
0xa7: {  	s28 =	simm.s32 $_size_execute0_lowered;
	s3 =	sadd.s32 s3, s5;
	[dreg:$0x0] =	wrdreg $0x0  }
0xa8: {  	s5 =	sshll.u32 s28, $0x1;
	[dreg:$0x2] =	wrdreg s3  }
0xa9: {  	[dreg:$0x3] =	wrdreg s5  }
0xaa: {  	[dreg:$0x4] =	wrdreg $0xC0  }
0xab: {  	_ =	task [dreg:s7], $0x5FFFF  }
0xac: {  	[dreg:$0x1] =	wrdreg $0xFFFFFFFF  }
0xad: {  	[dreg:$0x0] =	wrdreg $0x60  }
0xae: {  	[dreg:$0x2] =	wrdreg s24  }
0xaf: {  	[dreg:$0x3] =	wrdreg s2  }
0xb0: {  	[dreg:$0x4] =	wrdreg $0x9  }
0xb1: {  	_ =	task.clear_ibuf [dreg:s7], $0x5FFFF;
	_ =	strace $0x9000004C  }
0xb2: {  	s29 =	simm.s32 $0x9;
	_ =	strace $0x8000004E  }
0xb3: {  	_ =	swait.ge [sflag:s29], $0x1  }
0xb4: {  	[sflag:s29] =	ssyncadd.s32 $0xFFFFFFFF  }
0xb5: {  	_ =	strace $0x9000004E  }
0xb6: {  	_ =	sfence  }
0xb7: {  	s30 =	sld [smem:$0x0];
	_ =	sdelay $0x2  }
0xb8: {  	s31 =	sshll.u32 s1, $0xD;
	s1 =	sshrl.u32 s1, $0x2  }
0xb9: {  	s3 =	sand.u32 $0x4000, s31;
	s1 =	sadd.s32 s1, s30  }
0xba: {  	s0 =	sor.u32 s3, s0;
	s1 =	sshll.u32 s1, $0x11  }
0xbb: {  	s0 =	sor.u32 s1, s0  }
0xbc: {  	s0 =	sadd.s32 $0x8F2B, s0  }
0xbd: {  	[sflag:s0] =	ssyncadd.remote.s32 $0x1  }
0xbe: {  	_ =	sfence.sel $0xFFFF  }
0xbf: {  	[dreg:$0x0] =	wrdreg $0xFFFFFFFF;
	(pc) =	sbr.abs _section_cstart, $3  }
0xc0: {  	[dreg:$0x1] =	wrdreg $0xFFFFFFFF  }
0xc1: {  	_ =	task.clear_ibuf [dreg:s7], $0x2FFFF;
	_ =	strace $0x9FFFFFFF  }
0xc2: {  	(tm) =	ssettm $0x7FFFFFFF  }
0xc3: {  	_ =	shalt  }
tec
execute0_lowered:
.L_overlay_start_1:
0x0: {  	(tag) =	ssettag $0x1  }
0x1: {  	s0 =	rddreg [dreg:$0x0]  }
0x2: {  	s2 =	rddreg [dreg:$0x1]  }
0x3: {  	s1 =	srdreg.scid;
	s8 =	stileid.u32;
	s3 =	simm.s32 $0x0  }
0x4: {  	s28 =	simm.s32 $0x15C00;
	s29 =	simm.s32 $0x16C00;
	s1 =	sand.u32 $0x1, s1  }
0x5: {  	s30 =	simm.s32 $0x17C00;
	s5 =	sshll.u32 s8, $0x2;
	s4 =	sshll.u32 s1, $0x6  }
0x6: {  	s31 =	simm.s32 $0x18C00;
	[smem:$0x7FF] =	sst s3;
	s4 =	sor.u32 s5, s4  }
0x7: {  	s6 =	sadd.s32 $0x15400, s0;
	s8 =	sshll.u32 s8, $0x9;
	s4 =	sshrl.u32 s4, $0x3  }
0x8: {  	s9 =	sadd.s32 $0x3CC00, s0;
	s1 =	ssub.s32 $0x2, s1;
	s7 =	smul.u32 $0x13C00, s4  }
0x9: {  	_ =	strace $0x8000004D;
	s8 =	sand.u32 $0x200, s8;
	s16 =	sshrl.u32 s1, $0x1  }
0xa: {  	s5 =	sadd.s32 $0x1200, s0;
	s1 =	ssub.s32 s1, s16;
	s7 =	sor.u32 s8, s7  }
0xb: {  	s4 =	sadd.s32 $0xB000, s0;
	s0 =	sadd.s32 $0x64400, s0;
	s7 =	sshrl.u32 s7, $0x3  }
0xc: {  	s8 =	simm.s32 $0x11480;
	s17 =	sadd.s32 s6, s7;
	s18 =	sor.u32 $0x10, s7  }
0xd: {  	s19 =	sor.u32 $0x20, s7;
	s20 =	sadd.s32 s9, s7;
	[dreg:$0x3] =	wrdreg s17  }
0xe: {  	s11 =	sor.u32 $0x30, s7;
	s24 =	sadd.s32 s0, s7;
	[dreg:$0x7] =	wrdreg s20  }
0xf: {  	s7 =	simm.s32 $0xED00;
	s10 =	sadd.s32 s6, s18;
	[dreg:$0xb] =	wrdreg s24  }
0x10: {  	s12 =	sadd.s32 s6, s19;
	s6 =	sadd.s32 s6, s11;
	[dreg:$0x4] =	wrdreg s10  }
0x11: {  	s21 =	sadd.s32 s9, s18;
	s22 =	sadd.s32 s9, s19;
	[dreg:$0x5] =	wrdreg s12  }
0x12: {  	s23 =	sadd.s32 s9, s11;
	s25 =	sadd.s32 s0, s18;
	[dreg:$0x6] =	wrdreg s6  }
0x13: {  	s26 =	sadd.s32 s0, s19;
	s17 =	sadd.s32 s0, s11;
	[dreg:$0x8] =	wrdreg s21  }
0x14: {  	s18 =	smax.u32 s1, $0x1;
	s19 =	simm.s32 $0x80;
	[dreg:$0x9] =	wrdreg s22  }
0x15: {  	s20 =	simm.s32 $0x400;
	s24 =	simm.s32 $0x7680;
	[dreg:$0xa] =	wrdreg s23  }
0x16: {  	s0 =	simm.s32 $0x1;
	s1 =	simm.s32 $0x9E00;
	[dreg:$0xc] =	wrdreg s25  }
0x17: {  	s9 =	simm.s32 $0x2;
	[dreg:$0xd] =	wrdreg s26;
	s21 =	simm.s32 $0x3  }
0x18: {  	s22 =	simm.s32 $0x2780;
	s23 =	simm.s32 $0x4F00;
	s25 =	simm.s32 $0x13C00  }
0x19: {  	v0 =	vimm.f32 $0.0e+00;
	s26 =	simm.s32 $0x14C00;
	s6 =	simm.s32 $0xC580;
	s10 =	simm.s32 $0x0  }
.LBB2_1:
0x1a: {  	s11 =	rddreg [dreg:$0x3]  }
0x1b: {  	[tilespmem:s3], [sflag:$0x3] =	stream.strided.gather [hbm4b:s11+s19], $0x2780, s20, s19, $0x38;
	[tilespmem:$0x19C00] =	vst v63  }
0x1c: {  	_ =	swait.ge [sflag:s21], $0x2780  }
0x1d: {  	[sflag:s21] =	ssyncset.done $0x0  }
0x1e: {  	s11 =	simm.s32 $0x9E10;
	[sflag:s21] =	ssyncadd.s32 $0xFFFFD880  }
0x1f: {  	s12 =	simm.s32 $0x0;
	[tilespmem:s11+$0xFFFFFFF0] =	vst v0  }
.LBB2_2:
0x20: {  	s12 =	sadd.s32 $0x20, s12  }
0x21: {  	p0 =	slt.u32 s12, $0x26E0  }
.Ltmp0:
0x22: {  	_ = 	snop;
	(pc) =	sbr.rel @p0 .LBB2_2-.Ltmp0, $3  }
0x23: {  	_ =	sdelay $0x1  }
0x24: {  	[tilespmem:s11+$0x0] =	vst v0;
	s11 =	sadd.s32 $0x20, s11  }
0x25: {  	[tilespmem:s11+$0xFFFFFFF0] =	vst v0  }
0x26: {  	[tilespmem:s11+$0x0] =	vst v0  }
0x27: {  	[tilespmem:$0xC500] =	vst v0;
	s11 =	rddreg [dreg:$0x4]  }
0x28: {  	[tilespmem:s22], [sflag:$0x3] =	stream.strided.gather [hbm4b:s11+s19], $0x2780, s20, s19, $0x38;
	[tilespmem:$0x19C00] =	vst v63  }
0x29: {  	_ =	swait.ge [sflag:s21], $0x2780  }
0x2a: {  	[sflag:s21] =	ssyncset.done $0x0  }
0x2b: {  	s11 =	simm.s32 $0xC590;
	[sflag:s21] =	ssyncadd.s32 $0xFFFFD880  }
0x2c: {  	s12 =	simm.s32 $0x0;
	[tilespmem:s11+$0xFFFFFFF0] =	vst v0  }
.LBB2_4:
0x2d: {  	s12 =	sadd.s32 $0x20, s12  }
0x2e: {  	p0 =	slt.u32 s12, $0x26E0  }
.Ltmp1:
0x2f: {  	_ = 	snop;
	(pc) =	sbr.rel @p0 .LBB2_4-.Ltmp1, $3  }
0x30: {  	_ =	sdelay $0x1  }
0x31: {  	[tilespmem:s11+$0x0] =	vst v0;
	s11 =	sadd.s32 $0x20, s11  }
0x32: {  	[tilespmem:s11+$0xFFFFFFF0] =	vst v0  }
0x33: {  	[tilespmem:s11+$0x0] =	vst v0  }
0x34: {  	[tilespmem:$0xEC80] =	vst v0;
	s11 =	rddreg [dreg:$0x5]  }
0x35: {  	[tilespmem:s23], [sflag:$0x3] =	stream.strided.gather [hbm4b:s11+s19], $0x2780, s20, s19, $0x38;
	[tilespmem:$0x19C00] =	vst v63  }
0x36: {  	_ =	swait.ge [sflag:s21], $0x2780  }
0x37: {  	[sflag:s21] =	ssyncset.done $0x0  }
0x38: {  	s11 =	simm.s32 $0xED10;
	[sflag:s21] =	ssyncadd.s32 $0xFFFFD880  }
0x39: {  	s12 =	simm.s32 $0x0;
	[tilespmem:s11+$0xFFFFFFF0] =	vst v0  }
.LBB2_6:
0x3a: {  	s12 =	sadd.s32 $0x20, s12  }
0x3b: {  	p0 =	slt.u32 s12, $0x26E0  }
.Ltmp2:
0x3c: {  	_ = 	snop;
	(pc) =	sbr.rel @p0 .LBB2_6-.Ltmp2, $3  }
0x3d: {  	_ =	sdelay $0x1  }
0x3e: {  	[tilespmem:s11+$0x0] =	vst v0;
	s11 =	sadd.s32 $0x20, s11  }
0x3f: {  	[tilespmem:s11+$0xFFFFFFF0] =	vst v0  }
0x40: {  	[tilespmem:s11+$0x0] =	vst v0  }
0x41: {  	[tilespmem:$0x11400] =	vst v0;
	s11 =	rddreg [dreg:$0x6]  }
0x42: {  	[tilespmem:s24], [sflag:$0x3] =	stream.strided.gather [hbm4b:s11+s19], $0x2780, s20, s19, $0x38;
	[tilespmem:$0x19C00] =	vst v63  }
0x43: {  	_ =	swait.ge [sflag:s21], $0x2780  }
0x44: {  	[sflag:s21] =	ssyncset.done $0x0  }
0x45: {  	s11 =	simm.s32 $0x11490;
	[sflag:s21] =	ssyncadd.s32 $0xFFFFD880  }
0x46: {  	s12 =	simm.s32 $0x0;
	[tilespmem:s11+$0xFFFFFFF0] =	vst v0  }
.LBB2_8:
0x47: {  	s12 =	sadd.s32 $0x20, s12  }
0x48: {  	p0 =	slt.u32 s12, $0x26E0  }
.Ltmp3:
0x49: {  	_ = 	snop;
	(pc) =	sbr.rel @p0 .LBB2_8-.Ltmp3, $3  }
0x4a: {  	_ =	sdelay $0x1  }
0x4b: {  	[tilespmem:s11+$0x0] =	vst v0;
	s11 =	sadd.s32 $0x20, s11  }
0x4c: {  	[tilespmem:s11+$0xFFFFFFF0] =	vst v0  }
0x4d: {  	[tilespmem:s11+$0x0] =	vst v0  }
0x4e: {  	s11 =	simm.s32 $0x0;
	[tilespmem:$0x13B80] =	vst v0  }
0x4f: {  	[tilespmem:s25], [sflag:$0x1] =	stream.linear.gather [hbm4b:s4+s11], $0xFA0, $0x38;
	[tilespmem:$0x19C00] =	vst v63  }
0x50: {  	_ = 	snop  }
0x51: {  	[tilespmem:s26], [sflag:$0x1] =	stream.linear.gather [hbm4b:s5+s11], $0xFA0, $0x38;
	[tilespmem:$0x19C00] =	vst v63  }
0x52: {  	_ = 	snop  }
0x53: {  	[tilespmem:s28], [sflag:$0x1] =	stream.linear.gather [hbm4b:s2+s11], $0xFA0, $0x38;
	[tilespmem:$0x19C00] =	vst v63  }
.LBB2_10:
0x54: {  	s12 =	smul.u32 $0x1F40, s11;
	_ =	sdelay $0x1  }
0x55: {  	s13 =	sshrl.u32 s12, $0x3  }
0x56: {  	s13 =	sadd.s32 $0x1F4, s13  }
0x57: {  	s14 =	sadd.s32 s4, s13  }
0x58: {  	[tilespmem:s29], [sflag:$0x2] =	stream.linear.gather [hbm4b:s14+s3], $0xFA0, $0x38;
	[tilespmem:$0x19C00] =	vst v63  }
0x59: {  	s16 =	sadd.s32 s5, s13  }
0x5a: {  	[tilespmem:s30], [sflag:$0x2] =	stream.linear.gather [hbm4b:s16+s3], $0xFA0, $0x38;
	[tilespmem:$0x19C00] =	vst v63  }
0x5b: {  	s13 =	sadd.s32 s2, s13  }
0x5c: {  	[tilespmem:s31], [sflag:$0x2] =	stream.linear.gather [hbm4b:s13+s3], $0xFA0, $0x38;
	[tilespmem:$0x19C00] =	vst v63  }
0x5d: {  	_ =	swait.ge [sflag:s0], $0xFA0  }
0x5e: {  	[sflag:s0] =	ssyncset.done $0x0  }
0x5f: {  	[sflag:s0] =	ssyncadd.s32 $0xFFFFF060  }
0x60: {  	_ =	swait.ge [sflag:s0], $0xFA0  }
0x61: {  	[sflag:s0] =	ssyncset.done $0x0  }
0x62: {  	[sflag:s0] =	ssyncadd.s32 $0xFFFFF060  }
0x63: {  	_ =	swait.ge [sflag:s0], $0xFA0  }
0x64: {  	[sflag:s0] =	ssyncset.done $0x0  }
0x65: {  	s14 =	simm.s32 $0x13C10;
	[sflag:s0] =	ssyncadd.s32 $0xFFFFF060  }
0x66: {  	v4 =	vld [tilespmem:s14+$0x0];
	_ =	sdelay $0x4  }
0x67: {  	s15 =	simm.s32 $0x14C10  }
0x68: {  	s16 =	simm.s32 $0x15C10;
	v6 =	vld [tilespmem:s15+$0x0]  }
0x69: {  	v7 =	vld [tilespmem:s16+$0x0]  }
0x6a: {  	v1 =	vld.idx.msk [tilespmem:v4+s3+$0x0], $0xffff;
	_ =	sdelay $0x4  }
0x6b: {  	v9 =	vld [tilespmem:s14+$0xFFFFFFF0];
	v1 =	vmul.f32 v1, v7;
	_ =	sdelay $0x1  }
0x6c: {  	[tilespmem:v6+s1+$0x0] =	vst.idx.add.f32.msk $0xffff, v1  }
0x6d: {  	v3 =	vld.idx.msk [tilespmem:v4+s22+$0x0], $0xffff;
	_ =	sdelay $0x1  }
0x6e: {  	v1 =	vld [tilespmem:s15+$0xFFFFFFF0];
	s15 =	simm.s32 $0x13C30  }
0x6f: {  	v10 =	vld [tilespmem:s15+$0x0]  }
0x70: {  	v2 =	vld [tilespmem:s16+$0xFFFFFFF0]  }
0x71: {  	v5 =	vld.idx.msk [tilespmem:v9+s3+$0x0], $0xffff;
	v8 =	vmul.f32 v3, v7  }
0x72: {  	v3 =	vld [tilespmem:s15+$0xFFFFFFF0]  }
0x73: {  	[tilespmem:v6+s6+$0x0] =	vst.idx.add.f32.msk $0xffff, v8  }
0x74: {  	s16 =	simm.s32 $0x14C30;
	v8 =	vld.idx.msk [tilespmem:v4+s23+$0x0], $0xffff  }
0x75: {  	v18 =	vld [tilespmem:s16+$0x0];
	s15 =	simm.s32 $0x15C30  }
0x76: {  	v5 =	vmul.f32 v5, v2;
	v13 =	vld [tilespmem:s15+$0x0]  }
0x77: {  	v11 =	vld.idx.msk [tilespmem:v10+s3+$0x0], $0xffff  }
0x78: {  	[tilespmem:v1+s1+$0x0] =	vst.idx.add.f32.msk $0xffff, v5  }
0x79: {  	v12 =	vld.idx.msk [tilespmem:v9+s22+$0x0], $0xffff;
	v5 =	vmul.f32 v8, v7  }
0x7a: {  	v8 =	vld.idx.msk [tilespmem:v3+s3+$0x0], $0xffff  }
0x7b: {  	[tilespmem:v6+s7+$0x0] =	vst.idx.add.f32.msk $0xffff, v5  }
0x7c: {  	v11 =	vmul.f32 v11, v13;
	v14 =	vld.idx.msk [tilespmem:v4+s24+$0x0], $0xffff  }
0x7d: {  	v5 =	vld [tilespmem:s15+$0xFFFFFFF0]  }
0x7e: {  	[tilespmem:v18+s1+$0x0] =	vst.idx.add.f32.msk $0xffff, v11  }
0x7f: {  	v12 =	vmul.f32 v12, v2;
	v11 =	vld.idx.msk [tilespmem:v10+s22+$0x0], $0xffff  }
0x80: {  	v4 =	vld [tilespmem:s16+$0xFFFFFFF0]  }
0x81: {  	[tilespmem:v1+s6+$0x0] =	vst.idx.add.f32.msk $0xffff, v12;
	v7 =	vmul.f32 v14, v7  }
0x82: {  	v12 =	vld.idx.msk [tilespmem:v9+s23+$0x0], $0xffff  }
0x83: {  	s16 =	simm.s32 $0x13C50;
	[tilespmem:v6+s8+$0x0] =	vst.idx.add.f32.msk $0xffff, v7  }
0x84: {  	v11 =	vmul.f32 v11, v13;
	v7 =	vld [tilespmem:s16+$0x0]  }
0x85: {  	v6 =	vld [tilespmem:s16+$0xFFFFFFF0]  }
0x86: {  	v8 =	vmul.f32 v8, v5;
	[tilespmem:v18+s6+$0x0] =	vst.idx.add.f32.msk $0xffff, v11  }
0x87: {  	v11 =	vld.idx.msk [tilespmem:v10+s23+$0x0], $0xffff  }
0x88: {  	s13 =	simm.s32 $0x14C50;
	[tilespmem:v4+s1+$0x0] =	vst.idx.add.f32.msk $0xffff, v8  }
0x89: {  	v8 =	vmul.f32 v12, v2;
	v12 =	vld [tilespmem:s13+$0x0]  }
0x8a: {  	v14 =	vld.idx.msk [tilespmem:v3+s22+$0x0], $0xffff  }
0x8b: {  	s14 =	simm.s32 $0x15C50;
	[tilespmem:v1+s7+$0x0] =	vst.idx.add.f32.msk $0xffff, v8  }
0x8c: {  	v8 =	vld [tilespmem:s14+$0x0];
	v16 =	vmul.f32 v11, v13  }
0x8d: {  	v15 =	vld.idx.msk [tilespmem:v7+s3+$0x0], $0xffff  }
0x8e: {  	[tilespmem:v18+s7+$0x0] =	vst.idx.add.f32.msk $0xffff, v16  }
0x8f: {  	v10 =	vld.idx.msk [tilespmem:v10+s24+$0x0], $0xffff  }
0x90: {  	v11 =	vld [tilespmem:s14+$0xFFFFFFF0]  }
0x91: {  	v17 =	vld.idx.msk [tilespmem:v6+s3+$0x0], $0xffff;
	v16 =	vmul.f32 v14, v5  }
0x92: {  	v14 =	vld [tilespmem:s13+$0xFFFFFFF0];
	v15 =	vmul.f32 v15, v8  }
0x93: {  	[tilespmem:v4+s6+$0x0] =	vst.idx.add.f32.msk $0xffff, v16  }
0x94: {  	v10 =	vmul.f32 v10, v13;
	[tilespmem:v12+s1+$0x0] =	vst.idx.add.f32.msk $0xffff, v15  }
0x95: {  	v16 =	vld.idx.msk [tilespmem:v7+s22+$0x0], $0xffff  }
0x96: {  	v15 =	vld.idx.msk [tilespmem:v3+s23+$0x0], $0xffff  }
0x97: {  	v13 =	vld.idx.msk [tilespmem:v9+s24+$0x0], $0xffff  }
0x98: {  	s15 =	simm.s32 $0x40;
	s16 =	simm.s32 $0x13C70;
	v17 =	vmul.f32 v17, v11;
	v9 =	vmov v14;
	[tilespmem:v18+s8+$0x0] =	vst.idx.add.f32.msk $0xffff, v10;
	v10 =	vmov v12  }
.LBB2_11:
0x99: {  	v18 =	vld [tilespmem:s16+$0x0];
	s15 =	sadd.s32 $0x20, s15  }
0x9a: {  	v16 =	vmul.f32 v16, v8;
	v19 =	vld [tilespmem:s16+$0xFFFFFFF0];
	p0 =	slt.u32 s15, $0xF80  }
0x9b: {  	[tilespmem:v14+s1+$0x0] =	vst.idx.add.f32.msk $0xffff, v17;
	v14 =	vmul.f32 v15, v5  }
0x9c: {  	v20 =	vmul.f32 v13, v2;
	v2 =	vmov v5;
	v5 =	vmov v11;
	[tilespmem:v12+s6+$0x0] =	vst.idx.add.f32.msk $0xffff, v16  }
0x9d: {  	v11 =	vld.idx.msk [tilespmem:v7+s23+$0x0], $0xffff  }
0x9e: {  	v13 =	vld.idx.msk [tilespmem:v6+s22+$0x0], $0xffff  }
0x9f: {  	s13 =	sadd.s32 $0x20, s13;
	[tilespmem:v4+s7+$0x0] =	vst.idx.add.f32.msk $0xffff, v14  }
0xa0: {  	v12 =	vld [tilespmem:s13+$0x0]  }
0xa1: {  	s14 =	sadd.s32 $0x20, s14;
	v15 =	vld.idx.msk [tilespmem:v18+s3+$0x0], $0xffff  }
0xa2: {  	v21 =	vld [tilespmem:s14+$0x0]  }
0xa3: {  	v14 =	vmul.f32 v11, v8;
	v16 =	vld.idx.msk [tilespmem:v19+s3+$0x0], $0xffff  }
0xa4: {  	v13 =	vmul.f32 v13, v5;
	v11 =	vld [tilespmem:s14+$0xFFFFFFF0]  }
0xa5: {  	[tilespmem:v10+s7+$0x0] =	vst.idx.add.f32.msk $0xffff, v14  }
0xa6: {  	v22 =	vld.idx.msk [tilespmem:v7+s24+$0x0], $0xffff;
	v7 =	vmov v18  }
0xa7: {  	v14 =	vld [tilespmem:s13+$0xFFFFFFF0];
	v15 =	vmul.f32 v15, v21  }
0xa8: {  	[tilespmem:v9+s6+$0x0] =	vst.idx.add.f32.msk $0xffff, v13  }
0xa9: {  	v17 =	vmul.f32 v16, v11;
	[tilespmem:v12+s1+$0x0] =	vst.idx.add.f32.msk $0xffff, v15  }
.Ltmp4:
0xaa: {  	v16 =	vld.idx.msk [tilespmem:v18+s22+$0x0], $0xffff;
	(pc) =	sbr.rel @p0 .LBB2_11-.Ltmp4, $4  }
0xab: {  	v15 =	vld.idx.msk [tilespmem:v6+s23+$0x0], $0xffff  }
0xac: {  	v18 =	vmul.f32 v22, v8;
	v8 =	vmovc v21;
	v13 =	vld.idx.msk [tilespmem:v3+s24+$0x0], $0xffff;
	v3 =	vmov v6;
	v6 =	vmov v19  }
0xad: {  	[tilespmem:v1+s8+$0x0] =	vst.idx.add.f32.msk $0xffff, v20;
	v1 =	vmov v4;
	v4 =	vmov v9;
	v9 =	vmov v14  }
0xae: {  	s16 =	sadd.s32 $0x20, s16;
	[tilespmem:v10+s8+$0x0] =	vst.idx.add.f32.msk $0xffff, v18;
	v10 =	vmov v12  }
0xaf: {  	_ =	sdelay $0x3  }
0xb0: {  	[tilespmem:v14+s1+$0x0] =	vst.idx.add.f32.msk $0xffff, v17  }
0xb1: {  	v14 =	vld.idx.msk [tilespmem:v6+s22+$0x0], $0xffff;
	_ =	sdelay $0x2  }
0xb2: {  	v16 =	vmul.f32 v16, v8;
	_ =	sdelay $0x1  }
0xb3: {  	[tilespmem:v12+s6+$0x0] =	vst.idx.add.f32.msk $0xffff, v16;
	v14 =	vmul.f32 v14, v11  }
0xb4: {  	v12 =	vld.idx.msk [tilespmem:v7+s23+$0x0], $0xffff  }
0xb5: {  	[tilespmem:v9+s6+$0x0] =	vst.idx.add.f32.msk $0xffff, v14  }
0xb6: {  	v14 =	vld.idx.msk [tilespmem:v6+s23+$0x0], $0xffff  }
0xb7: {  	v15 =	vmul.f32 v15, v5;
	_ =	sdelay $0x1  }
0xb8: {  	[tilespmem:v4+s7+$0x0] =	vst.idx.add.f32.msk $0xffff, v15;
	v12 =	vmul.f32 v12, v8  }
0xb9: {  	v3 =	vld.idx.msk [tilespmem:v3+s24+$0x0], $0xffff  }
0xba: {  	[tilespmem:v10+s7+$0x0] =	vst.idx.add.f32.msk $0xffff, v12;
	v12 =	vmul.f32 v14, v11  }
0xbb: {  	v7 =	vld.idx.msk [tilespmem:v7+s24+$0x0], $0xffff  }
0xbc: {  	[tilespmem:v9+s7+$0x0] =	vst.idx.add.f32.msk $0xffff, v12  }
0xbd: {  	v6 =	vld.idx.msk [tilespmem:v6+s24+$0x0], $0xffff  }
0xbe: {  	v2 =	vmul.f32 v13, v2;
	_ =	sdelay $0x1  }
0xbf: {  	[tilespmem:v1+s8+$0x0] =	vst.idx.add.f32.msk $0xffff, v2;
	v1 =	vmul.f32 v3, v5  }
0xc0: {  	s12 =	smin.u32 s12, $0x4B320;
	v7 =	vmul.f32 v7, v8  }
0xc1: {  	s12 =	sshrl.u32 s12, $0x3;
	[tilespmem:v4+s8+$0x0] =	vst.idx.add.f32.msk $0xffff, v1;
	v2 =	vmul.f32 v6, v11  }
0xc2: {  	s12 =	sadd.s32 $0x3E8, s12;
	[tilespmem:v10+s8+$0x0] =	vst.idx.add.f32.msk $0xffff, v7  }
0xc3: {  	s13 =	sadd.s32 s4, s12;
	[tilespmem:v9+s8+$0x0] =	vst.idx.add.f32.msk $0xffff, v2  }
0xc4: {  	[tilespmem:s25], [sflag:$0x1] =	stream.linear.gather [hbm4b:s13+s3], $0xFA0, $0x38;
	[tilespmem:$0x19C00] =	vst v63  }
0xc5: {  	s16 =	sadd.s32 s5, s12  }
0xc6: {  	[tilespmem:s26], [sflag:$0x1] =	stream.linear.gather [hbm4b:s16+s3], $0xFA0, $0x38;
	[tilespmem:$0x19C00] =	vst v63  }
0xc7: {  	s12 =	sadd.s32 s2, s12  }
0xc8: {  	[tilespmem:s28], [sflag:$0x1] =	stream.linear.gather [hbm4b:s12+s3], $0xFA0, $0x38;
	[tilespmem:$0x19C00] =	vst v63  }
0xc9: {  	_ =	swait.ge [sflag:s9], $0xFA0  }
0xca: {  	[sflag:s9] =	ssyncset.done $0x0  }
0xcb: {  	[sflag:s9] =	ssyncadd.s32 $0xFFFFF060  }
0xcc: {  	_ =	swait.ge [sflag:s9], $0xFA0  }
0xcd: {  	[sflag:s9] =	ssyncset.done $0x0  }
0xce: {  	[sflag:s9] =	ssyncadd.s32 $0xFFFFF060  }
0xcf: {  	_ =	swait.ge [sflag:s9], $0xFA0  }
0xd0: {  	[sflag:s9] =	ssyncset.done $0x0  }
0xd1: {  	s14 =	simm.s32 $0x16C10;
	[sflag:s9] =	ssyncadd.s32 $0xFFFFF060  }
0xd2: {  	v4 =	vld [tilespmem:s14+$0x0];
	_ =	sdelay $0x4  }
0xd3: {  	s15 =	simm.s32 $0x17C10  }
0xd4: {  	s16 =	simm.s32 $0x18C10;
	v6 =	vld [tilespmem:s15+$0x0]  }
0xd5: {  	v7 =	vld [tilespmem:s16+$0x0]  }
0xd6: {  	v1 =	vld.idx.msk [tilespmem:v4+s3+$0x0], $0xffff;
	_ =	sdelay $0x1  }
0xd7: {  	v9 =	vld [tilespmem:s14+$0xFFFFFFF0]  }
0xd8: {  	s13 =	simm.s32 $0x16C30  }
0xd9: {  	v10 =	vld [tilespmem:s13+$0x0]  }
0xda: {  	v1 =	vmul.f32 v1, v7  }
0xdb: {  	v2 =	vld [tilespmem:s16+$0xFFFFFFF0]  }
0xdc: {  	[tilespmem:v6+s1+$0x0] =	vst.idx.add.f32.msk $0xffff, v1  }
0xdd: {  	s14 =	simm.s32 $0x17C30;
	v3 =	vld.idx.msk [tilespmem:v4+s22+$0x0], $0xffff  }
0xde: {  	v18 =	vld [tilespmem:s14+$0x0]  }
0xdf: {  	v5 =	vld.idx.msk [tilespmem:v9+s3+$0x0], $0xffff  }
0xe0: {  	v1 =	vld [tilespmem:s15+$0xFFFFFFF0]  }
0xe1: {  	v11 =	vld.idx.msk [tilespmem:v10+s3+$0x0], $0xffff;
	s15 =	simm.s32 $0x18C30  }
0xe2: {  	v13 =	vld [tilespmem:s15+$0x0];
	v8 =	vmul.f32 v3, v7;
	_ =	sdelay $0x1  }
0xe3: {  	[tilespmem:v6+s6+$0x0] =	vst.idx.add.f32.msk $0xffff, v8  }
0xe4: {  	v8 =	vld.idx.msk [tilespmem:v4+s23+$0x0], $0xffff  }
0xe5: {  	v5 =	vmul.f32 v5, v2;
	v3 =	vld [tilespmem:s13+$0xFFFFFFF0]  }
0xe6: {  	v11 =	vmul.f32 v11, v13  }
0xe7: {  	[tilespmem:v1+s1+$0x0] =	vst.idx.add.f32.msk $0xffff, v5  }
0xe8: {  	[tilespmem:v18+s1+$0x0] =	vst.idx.add.f32.msk $0xffff, v11  }
0xe9: {  	v12 =	vld.idx.msk [tilespmem:v9+s22+$0x0], $0xffff;
	v5 =	vmul.f32 v8, v7  }
0xea: {  	v11 =	vld.idx.msk [tilespmem:v10+s22+$0x0], $0xffff  }
0xeb: {  	[tilespmem:v6+s7+$0x0] =	vst.idx.add.f32.msk $0xffff, v5  }
0xec: {  	v14 =	vld.idx.msk [tilespmem:v4+s24+$0x0], $0xffff  }
0xed: {  	v8 =	vld.idx.msk [tilespmem:v3+s3+$0x0], $0xffff  }
0xee: {  	v12 =	vmul.f32 v12, v2;
	v5 =	vld [tilespmem:s15+$0xFFFFFFF0]  }
0xef: {  	v11 =	vmul.f32 v11, v13;
	v4 =	vld [tilespmem:s14+$0xFFFFFFF0]  }
0xf0: {  	[tilespmem:v1+s6+$0x0] =	vst.idx.add.f32.msk $0xffff, v12  }
0xf1: {  	[tilespmem:v18+s6+$0x0] =	vst.idx.add.f32.msk $0xffff, v11;
	v7 =	vmul.f32 v14, v7  }
0xf2: {  	v12 =	vld.idx.msk [tilespmem:v9+s23+$0x0], $0xffff  }
0xf3: {  	s16 =	simm.s32 $0x16C50;
	[tilespmem:v6+s8+$0x0] =	vst.idx.add.f32.msk $0xffff, v7  }
0xf4: {  	v7 =	vld [tilespmem:s16+$0x0]  }
0xf5: {  	v11 =	vld.idx.msk [tilespmem:v10+s23+$0x0], $0xffff;
	v8 =	vmul.f32 v8, v5  }
0xf6: {  	v6 =	vld [tilespmem:s16+$0xFFFFFFF0]  }
0xf7: {  	s12 =	simm.s32 $0x17C50;
	[tilespmem:v4+s1+$0x0] =	vst.idx.add.f32.msk $0xffff, v8  }
0xf8: {  	v8 =	vmul.f32 v12, v2;
	v12 =	vld [tilespmem:s12+$0x0]  }
0xf9: {  	v14 =	vld.idx.msk [tilespmem:v3+s22+$0x0], $0xffff  }
0xfa: {  	s13 =	simm.s32 $0x18C50;
	[tilespmem:v1+s7+$0x0] =	vst.idx.add.f32.msk $0xffff, v8  }
0xfb: {  	v16 =	vmul.f32 v11, v13;
	v8 =	vld [tilespmem:s13+$0x0]  }
0xfc: {  	v15 =	vld.idx.msk [tilespmem:v7+s3+$0x0], $0xffff  }
0xfd: {  	[tilespmem:v18+s7+$0x0] =	vst.idx.add.f32.msk $0xffff, v16  }
0xfe: {  	v10 =	vld.idx.msk [tilespmem:v10+s24+$0x0], $0xffff  }
0xff: {  	v11 =	vld [tilespmem:s13+$0xFFFFFFF0]  }
0x100: {  	v16 =	vmul.f32 v14, v5;
	v14 =	vld [tilespmem:s12+$0xFFFFFFF0]  }
0x101: {  	v17 =	vld.idx.msk [tilespmem:v6+s3+$0x0], $0xffff;
	v15 =	vmul.f32 v15, v8  }
0x102: {  	[tilespmem:v4+s6+$0x0] =	vst.idx.add.f32.msk $0xffff, v16  }
0x103: {  	v10 =	vmul.f32 v10, v13;
	[tilespmem:v12+s1+$0x0] =	vst.idx.add.f32.msk $0xffff, v15  }
0x104: {  	v16 =	vld.idx.msk [tilespmem:v7+s22+$0x0], $0xffff  }
0x105: {  	v15 =	vld.idx.msk [tilespmem:v3+s23+$0x0], $0xffff  }
0x106: {  	v13 =	vld.idx.msk [tilespmem:v9+s24+$0x0], $0xffff  }
0x107: {  	s15 =	simm.s32 $0x16C70;
	s14 =	simm.s32 $0x40;
	[tilespmem:v18+s8+$0x0] =	vst.idx.add.f32.msk $0xffff, v10;
	v10 =	vmov v12;
	v9 =	vmov v14;
	v17 =	vmul.f32 v17, v11  }
.LBB2_13:
0x108: {  	v18 =	vld [tilespmem:s15+$0x0];
	s14 =	sadd.s32 $0x20, s14  }
0x109: {  	v16 =	vmul.f32 v16, v8;
	v19 =	vld [tilespmem:s15+$0xFFFFFFF0];
	p0 =	slt.u32 s14, $0xF80  }
0x10a: {  	[tilespmem:v14+s1+$0x0] =	vst.idx.add.f32.msk $0xffff, v17;
	v14 =	vmul.f32 v15, v5  }
0x10b: {  	v20 =	vmul.f32 v13, v2;
	v2 =	vmov v5;
	v5 =	vmov v11;
	[tilespmem:v12+s6+$0x0] =	vst.idx.add.f32.msk $0xffff, v16  }
0x10c: {  	v11 =	vld.idx.msk [tilespmem:v7+s23+$0x0], $0xffff  }
0x10d: {  	v13 =	vld.idx.msk [tilespmem:v6+s22+$0x0], $0xffff  }
0x10e: {  	s12 =	sadd.s32 $0x20, s12;
	[tilespmem:v4+s7+$0x0] =	vst.idx.add.f32.msk $0xffff, v14  }
0x10f: {  	v12 =	vld [tilespmem:s12+$0x0]  }
0x110: {  	s13 =	sadd.s32 $0x20, s13;
	v15 =	vld.idx.msk [tilespmem:v18+s3+$0x0], $0xffff  }
0x111: {  	v21 =	vld [tilespmem:s13+$0x0]  }
0x112: {  	v14 =	vmul.f32 v11, v8;
	v16 =	vld.idx.msk [tilespmem:v19+s3+$0x0], $0xffff  }
0x113: {  	v13 =	vmul.f32 v13, v5;
	v11 =	vld [tilespmem:s13+$0xFFFFFFF0]  }
0x114: {  	[tilespmem:v10+s7+$0x0] =	vst.idx.add.f32.msk $0xffff, v14  }
0x115: {  	v22 =	vld.idx.msk [tilespmem:v7+s24+$0x0], $0xffff;
	v7 =	vmov v18  }
0x116: {  	v14 =	vld [tilespmem:s12+$0xFFFFFFF0];
	v15 =	vmul.f32 v15, v21  }
0x117: {  	[tilespmem:v9+s6+$0x0] =	vst.idx.add.f32.msk $0xffff, v13  }
0x118: {  	v17 =	vmul.f32 v16, v11;
	[tilespmem:v12+s1+$0x0] =	vst.idx.add.f32.msk $0xffff, v15  }
.Ltmp5:
0x119: {  	v16 =	vld.idx.msk [tilespmem:v18+s22+$0x0], $0xffff;
	(pc) =	sbr.rel @p0 .LBB2_13-.Ltmp5, $4  }
0x11a: {  	v15 =	vld.idx.msk [tilespmem:v6+s23+$0x0], $0xffff  }
0x11b: {  	v18 =	vmul.f32 v22, v8;
	v8 =	vmovc v21;
	v13 =	vld.idx.msk [tilespmem:v3+s24+$0x0], $0xffff;
	v3 =	vmov v6;
	v6 =	vmov v19  }
0x11c: {  	[tilespmem:v1+s8+$0x0] =	vst.idx.add.f32.msk $0xffff, v20;
	v1 =	vmov v4;
	v4 =	vmov v9;
	v9 =	vmov v14  }
0x11d: {  	s15 =	sadd.s32 $0x20, s15;
	[tilespmem:v10+s8+$0x0] =	vst.idx.add.f32.msk $0xffff, v18;
	v10 =	vmov v12  }
0x11e: {  	_ =	sdelay $0x3  }
0x11f: {  	[tilespmem:v14+s1+$0x0] =	vst.idx.add.f32.msk $0xffff, v17  }
0x120: {  	v14 =	vld.idx.msk [tilespmem:v6+s22+$0x0], $0xffff;
	_ =	sdelay $0x2  }
0x121: {  	v16 =	vmul.f32 v16, v8;
	_ =	sdelay $0x1  }
0x122: {  	[tilespmem:v12+s6+$0x0] =	vst.idx.add.f32.msk $0xffff, v16;
	v14 =	vmul.f32 v14, v11  }
0x123: {  	v12 =	vld.idx.msk [tilespmem:v7+s23+$0x0], $0xffff  }
0x124: {  	[tilespmem:v9+s6+$0x0] =	vst.idx.add.f32.msk $0xffff, v14  }
0x125: {  	v14 =	vld.idx.msk [tilespmem:v6+s23+$0x0], $0xffff  }
0x126: {  	v15 =	vmul.f32 v15, v5;
	_ =	sdelay $0x1  }
0x127: {  	[tilespmem:v4+s7+$0x0] =	vst.idx.add.f32.msk $0xffff, v15;
	v12 =	vmul.f32 v12, v8  }
0x128: {  	v3 =	vld.idx.msk [tilespmem:v3+s24+$0x0], $0xffff  }
0x129: {  	[tilespmem:v10+s7+$0x0] =	vst.idx.add.f32.msk $0xffff, v12;
	v62 =	vmul.f32 v14, v11  }
0x12a: {  	v61 =	vld.idx.msk [tilespmem:v7+s24+$0x0], $0xffff  }
0x12b: {  	[tilespmem:v9+s7+$0x0] =	vst.idx.add.f32.msk $0xffff, v62  }
0x12c: {  	v63 =	vld.idx.msk [tilespmem:v6+s24+$0x0], $0xffff  }
0x12d: {  	s11 =	sadd.s32 $0x1, s11;
	v2 =	vmul.f32 v13, v2  }
0x12e: {  	p0 =	sne.s32 s11, $0x28  }
.Ltmp6:
0x12f: {  	[tilespmem:v1+s8+$0x0] =	vst.idx.add.f32.msk $0xffff, v2;
	v1 =	vmul.f32 v3, v5;
	(pc) =	sbr.rel @p0 .LBB2_10-.Ltmp6, $4  }
0x130: {  	v7 =	vmul.f32 v61, v8  }
0x131: {  	[tilespmem:v4+s8+$0x0] =	vst.idx.add.f32.msk $0xffff, v1;
	v2 =	vmul.f32 v63, v11  }
0x132: {  	[tilespmem:v10+s8+$0x0] =	vst.idx.add.f32.msk $0xffff, v7  }
0x133: {  	[tilespmem:v9+s8+$0x0] =	vst.idx.add.f32.msk $0xffff, v2  }
0x134: {  	_ =	swait.ge [sflag:s0], $0xFA0  }
0x135: {  	[sflag:s0] =	ssyncset.done $0x0  }
0x136: {  	[sflag:s0] =	ssyncadd.s32 $0xFFFFF060  }
0x137: {  	_ =	swait.ge [sflag:s0], $0xFA0  }
0x138: {  	[sflag:s0] =	ssyncset.done $0x0  }
0x139: {  	[sflag:s0] =	ssyncadd.s32 $0xFFFFF060  }
0x13a: {  	_ =	swait.ge [sflag:s0], $0xFA0  }
0x13b: {  	[sflag:s0] =	ssyncset.done $0x0  }
0x13c: {  	s11 =	rddreg [dreg:$0x7];
	[sflag:s0] =	ssyncadd.s32 $0xFFFFF060  }
0x13d: {  	[hbm4b:s11+s19] =	stream.strided.scatter [tilespmem:s1], [sflag:$0x3], $0x2780, s20, s19, $0x38;
	[tilespmem:$0x19C00] =	vst v63  }
0x13e: {  	_ =	swait.ge [sflag:s21], $0x2780  }
0x13f: {  	[sflag:s21] =	ssyncset.done $0x0  }
0x140: {  	s11 =	simm.s32 $0x10;
	[sflag:s21] =	ssyncadd.s32 $0xFFFFD880  }
0x141: {  	s12 =	simm.s32 $0x0;
	[tilespmem:s11+$0xFFFFFFF0] =	vst v0  }
.LBB2_16:
0x142: {  	s12 =	sadd.s32 $0x20, s12  }
0x143: {  	p0 =	slt.u32 s12, $0x26E0  }
.Ltmp7:
0x144: {  	_ = 	snop;
	(pc) =	sbr.rel @p0 .LBB2_16-.Ltmp7, $3  }
0x145: {  	_ =	sdelay $0x1  }
0x146: {  	[tilespmem:s11+$0x0] =	vst v0;
	s11 =	sadd.s32 $0x20, s11  }
0x147: {  	[tilespmem:s11+$0xFFFFFFF0] =	vst v0  }
0x148: {  	[tilespmem:s11+$0x0] =	vst v0  }
0x149: {  	[tilespmem:$0x2700] =	vst v0;
	s11 =	rddreg [dreg:$0x8]  }
0x14a: {  	[hbm4b:s11+s19] =	stream.strided.scatter [tilespmem:s6], [sflag:$0x3], $0x2780, s20, s19, $0x38;
	[tilespmem:$0x19C00] =	vst v63  }
0x14b: {  	_ =	swait.ge [sflag:s21], $0x2780  }
0x14c: {  	[sflag:s21] =	ssyncset.done $0x0  }
0x14d: {  	s11 =	simm.s32 $0x2790;
	[sflag:s21] =	ssyncadd.s32 $0xFFFFD880  }
0x14e: {  	s12 =	simm.s32 $0x0;
	[tilespmem:s11+$0xFFFFFFF0] =	vst v0  }
.LBB2_18:
0x14f: {  	s12 =	sadd.s32 $0x20, s12  }
0x150: {  	p0 =	slt.u32 s12, $0x26E0  }
.Ltmp8:
0x151: {  	_ = 	snop;
	(pc) =	sbr.rel @p0 .LBB2_18-.Ltmp8, $3  }
0x152: {  	_ =	sdelay $0x1  }
0x153: {  	[tilespmem:s11+$0x0] =	vst v0;
	s11 =	sadd.s32 $0x20, s11  }
0x154: {  	[tilespmem:s11+$0xFFFFFFF0] =	vst v0  }
0x155: {  	[tilespmem:s11+$0x0] =	vst v0  }
0x156: {  	[tilespmem:$0x4E80] =	vst v0;
	s11 =	rddreg [dreg:$0x9]  }
0x157: {  	[hbm4b:s11+s19] =	stream.strided.scatter [tilespmem:s7], [sflag:$0x3], $0x2780, s20, s19, $0x38;
	[tilespmem:$0x19C00] =	vst v63  }
0x158: {  	_ =	swait.ge [sflag:s21], $0x2780  }
0x159: {  	[sflag:s21] =	ssyncset.done $0x0  }
0x15a: {  	s11 =	simm.s32 $0x4F10;
	[sflag:s21] =	ssyncadd.s32 $0xFFFFD880  }
0x15b: {  	s12 =	simm.s32 $0x0;
	[tilespmem:s11+$0xFFFFFFF0] =	vst v0  }
.LBB2_20:
0x15c: {  	s12 =	sadd.s32 $0x20, s12  }
0x15d: {  	p0 =	slt.u32 s12, $0x26E0  }
.Ltmp9:
0x15e: {  	_ = 	snop;
	(pc) =	sbr.rel @p0 .LBB2_20-.Ltmp9, $3  }
0x15f: {  	_ =	sdelay $0x1  }
0x160: {  	[tilespmem:s11+$0x0] =	vst v0;
	s11 =	sadd.s32 $0x20, s11  }
0x161: {  	[tilespmem:s11+$0xFFFFFFF0] =	vst v0  }
0x162: {  	[tilespmem:s11+$0x0] =	vst v0  }
0x163: {  	[tilespmem:$0x7600] =	vst v0;
	s11 =	rddreg [dreg:$0xa]  }
0x164: {  	[hbm4b:s11+s19] =	stream.strided.scatter [tilespmem:s8], [sflag:$0x3], $0x2780, s20, s19, $0x38;
	[tilespmem:$0x19C00] =	vst v63  }
0x165: {  	_ =	swait.ge [sflag:s21], $0x2780  }
0x166: {  	[sflag:s21] =	ssyncset.done $0x0  }
0x167: {  	s11 =	simm.s32 $0x7690;
	[sflag:s21] =	ssyncadd.s32 $0xFFFFD880  }
0x168: {  	s12 =	simm.s32 $0x0;
	[tilespmem:s11+$0xFFFFFFF0] =	vst v0  }
.LBB2_22:
0x169: {  	s12 =	sadd.s32 $0x20, s12  }
0x16a: {  	p0 =	slt.u32 s12, $0x26E0  }
.Ltmp10:
0x16b: {  	_ = 	snop;
	(pc) =	sbr.rel @p0 .LBB2_22-.Ltmp10, $3  }
0x16c: {  	_ =	sdelay $0x1  }
0x16d: {  	[tilespmem:s11+$0x0] =	vst v0;
	s11 =	sadd.s32 $0x20, s11  }
0x16e: {  	[tilespmem:s11+$0xFFFFFFF0] =	vst v0  }
0x16f: {  	[tilespmem:s11+$0x0] =	vst v0  }
0x170: {  	s11 =	simm.s32 $0x0;
	[tilespmem:$0x9D80] =	vst v0  }
0x171: {  	[tilespmem:s25], [sflag:$0x1] =	stream.linear.gather [hbm4b:s4+s11], $0xFA0, $0x38;
	[tilespmem:$0x19C00] =	vst v63  }
0x172: {  	_ = 	snop  }
0x173: {  	[tilespmem:s26], [sflag:$0x1] =	stream.linear.gather [hbm4b:s5+s11], $0xFA0, $0x38;
	[tilespmem:$0x19C00] =	vst v63  }
0x174: {  	_ = 	snop  }
0x175: {  	[tilespmem:s28], [sflag:$0x1] =	stream.linear.gather [hbm4b:s2+s11], $0xFA0, $0x38;
	[tilespmem:$0x19C00] =	vst v63  }
.LBB2_24:
0x176: {  	s12 =	smul.u32 $0x1F40, s11;
	_ =	sdelay $0x1  }
0x177: {  	s13 =	sshrl.u32 s12, $0x3  }
0x178: {  	s13 =	sadd.s32 $0x1F4, s13  }
0x179: {  	s14 =	sadd.s32 s4, s13  }
0x17a: {  	[tilespmem:s29], [sflag:$0x2] =	stream.linear.gather [hbm4b:s14+s3], $0xFA0, $0x38;
	[tilespmem:$0x19C00] =	vst v63  }
0x17b: {  	s16 =	sadd.s32 s5, s13  }
0x17c: {  	[tilespmem:s30], [sflag:$0x2] =	stream.linear.gather [hbm4b:s16+s3], $0xFA0, $0x38;
	[tilespmem:$0x19C00] =	vst v63  }
0x17d: {  	s13 =	sadd.s32 s2, s13  }
0x17e: {  	[tilespmem:s31], [sflag:$0x2] =	stream.linear.gather [hbm4b:s13+s3], $0xFA0, $0x38;
	[tilespmem:$0x19C00] =	vst v63  }
0x17f: {  	_ =	swait.ge [sflag:s0], $0xFA0  }
0x180: {  	[sflag:s0] =	ssyncset.done $0x0  }
0x181: {  	[sflag:s0] =	ssyncadd.s32 $0xFFFFF060  }
0x182: {  	_ =	swait.ge [sflag:s0], $0xFA0  }
0x183: {  	[sflag:s0] =	ssyncset.done $0x0  }
0x184: {  	[sflag:s0] =	ssyncadd.s32 $0xFFFFF060  }
0x185: {  	_ =	swait.ge [sflag:s0], $0xFA0  }
0x186: {  	[sflag:s0] =	ssyncset.done $0x0  }
0x187: {  	s14 =	simm.s32 $0x13C10;
	[sflag:s0] =	ssyncadd.s32 $0xFFFFF060  }
0x188: {  	v4 =	vld [tilespmem:s14+$0x0];
	_ =	sdelay $0x4  }
0x189: {  	s15 =	simm.s32 $0x14C10  }
0x18a: {  	s16 =	simm.s32 $0x15C10;
	v6 =	vld [tilespmem:s15+$0x0]  }
0x18b: {  	v7 =	vld [tilespmem:s16+$0x0]  }
0x18c: {  	v1 =	vld.idx.msk [tilespmem:v4+s1+$0x0], $0xffff;
	_ =	sdelay $0x4  }
0x18d: {  	v9 =	vld [tilespmem:s14+$0xFFFFFFF0];
	v1 =	vmul.f32 v1, v7;
	_ =	sdelay $0x1  }
0x18e: {  	[tilespmem:v6+s3+$0x0] =	vst.idx.add.f32.msk $0xffff, v1  }
0x18f: {  	v3 =	vld.idx.msk [tilespmem:v4+s6+$0x0], $0xffff;
	_ =	sdelay $0x1  }
0x190: {  	v1 =	vld [tilespmem:s15+$0xFFFFFFF0];
	s15 =	simm.s32 $0x13C30  }
0x191: {  	v10 =	vld [tilespmem:s15+$0x0]  }
0x192: {  	v2 =	vld [tilespmem:s16+$0xFFFFFFF0]  }
0x193: {  	v5 =	vld.idx.msk [tilespmem:v9+s1+$0x0], $0xffff;
	v8 =	vmul.f32 v3, v7  }
0x194: {  	v3 =	vld [tilespmem:s15+$0xFFFFFFF0]  }
0x195: {  	[tilespmem:v6+s22+$0x0] =	vst.idx.add.f32.msk $0xffff, v8  }
0x196: {  	s16 =	simm.s32 $0x14C30;
	v8 =	vld.idx.msk [tilespmem:v4+s7+$0x0], $0xffff  }
0x197: {  	v18 =	vld [tilespmem:s16+$0x0];
	s15 =	simm.s32 $0x15C30  }
0x198: {  	v5 =	vmul.f32 v5, v2;
	v13 =	vld [tilespmem:s15+$0x0]  }
0x199: {  	v11 =	vld.idx.msk [tilespmem:v10+s1+$0x0], $0xffff  }
0x19a: {  	[tilespmem:v1+s3+$0x0] =	vst.idx.add.f32.msk $0xffff, v5  }
0x19b: {  	v12 =	vld.idx.msk [tilespmem:v9+s6+$0x0], $0xffff;
	v5 =	vmul.f32 v8, v7  }
0x19c: {  	v8 =	vld.idx.msk [tilespmem:v3+s1+$0x0], $0xffff  }
0x19d: {  	[tilespmem:v6+s23+$0x0] =	vst.idx.add.f32.msk $0xffff, v5  }
0x19e: {  	v11 =	vmul.f32 v11, v13;
	v14 =	vld.idx.msk [tilespmem:v4+s8+$0x0], $0xffff  }
0x19f: {  	v5 =	vld [tilespmem:s15+$0xFFFFFFF0]  }
0x1a0: {  	[tilespmem:v18+s3+$0x0] =	vst.idx.add.f32.msk $0xffff, v11  }
0x1a1: {  	v12 =	vmul.f32 v12, v2;
	v11 =	vld.idx.msk [tilespmem:v10+s6+$0x0], $0xffff  }
0x1a2: {  	v4 =	vld [tilespmem:s16+$0xFFFFFFF0]  }
0x1a3: {  	[tilespmem:v1+s22+$0x0] =	vst.idx.add.f32.msk $0xffff, v12;
	v7 =	vmul.f32 v14, v7  }
0x1a4: {  	v12 =	vld.idx.msk [tilespmem:v9+s7+$0x0], $0xffff  }
0x1a5: {  	s16 =	simm.s32 $0x13C50;
	[tilespmem:v6+s24+$0x0] =	vst.idx.add.f32.msk $0xffff, v7  }
0x1a6: {  	v11 =	vmul.f32 v11, v13;
	v7 =	vld [tilespmem:s16+$0x0]  }
0x1a7: {  	v6 =	vld [tilespmem:s16+$0xFFFFFFF0]  }
0x1a8: {  	v8 =	vmul.f32 v8, v5;
	[tilespmem:v18+s22+$0x0] =	vst.idx.add.f32.msk $0xffff, v11  }
0x1a9: {  	v11 =	vld.idx.msk [tilespmem:v10+s7+$0x0], $0xffff  }
0x1aa: {  	s13 =	simm.s32 $0x14C50;
	[tilespmem:v4+s3+$0x0] =	vst.idx.add.f32.msk $0xffff, v8  }
0x1ab: {  	v8 =	vmul.f32 v12, v2;
	v12 =	vld [tilespmem:s13+$0x0]  }
0x1ac: {  	v14 =	vld.idx.msk [tilespmem:v3+s6+$0x0], $0xffff  }
0x1ad: {  	s14 =	simm.s32 $0x15C50;
	[tilespmem:v1+s23+$0x0] =	vst.idx.add.f32.msk $0xffff, v8  }
0x1ae: {  	v8 =	vld [tilespmem:s14+$0x0];
	v16 =	vmul.f32 v11, v13  }
0x1af: {  	v15 =	vld.idx.msk [tilespmem:v7+s1+$0x0], $0xffff  }
0x1b0: {  	[tilespmem:v18+s23+$0x0] =	vst.idx.add.f32.msk $0xffff, v16  }
0x1b1: {  	v10 =	vld.idx.msk [tilespmem:v10+s8+$0x0], $0xffff  }
0x1b2: {  	v11 =	vld [tilespmem:s14+$0xFFFFFFF0]  }
0x1b3: {  	v17 =	vld.idx.msk [tilespmem:v6+s1+$0x0], $0xffff;
	v16 =	vmul.f32 v14, v5  }
0x1b4: {  	v14 =	vld [tilespmem:s13+$0xFFFFFFF0];
	v15 =	vmul.f32 v15, v8  }
0x1b5: {  	[tilespmem:v4+s22+$0x0] =	vst.idx.add.f32.msk $0xffff, v16  }
0x1b6: {  	v10 =	vmul.f32 v10, v13;
	[tilespmem:v12+s3+$0x0] =	vst.idx.add.f32.msk $0xffff, v15  }
0x1b7: {  	v16 =	vld.idx.msk [tilespmem:v7+s6+$0x0], $0xffff  }
0x1b8: {  	v15 =	vld.idx.msk [tilespmem:v3+s7+$0x0], $0xffff  }
0x1b9: {  	v13 =	vld.idx.msk [tilespmem:v9+s8+$0x0], $0xffff  }
0x1ba: {  	s15 =	simm.s32 $0x40;
	s16 =	simm.s32 $0x13C70;
	v17 =	vmul.f32 v17, v11;
	v9 =	vmov v14;
	[tilespmem:v18+s24+$0x0] =	vst.idx.add.f32.msk $0xffff, v10;
	v10 =	vmov v12  }
.LBB2_25:
0x1bb: {  	v18 =	vld [tilespmem:s16+$0x0];
	s15 =	sadd.s32 $0x20, s15  }
0x1bc: {  	v16 =	vmul.f32 v16, v8;
	v19 =	vld [tilespmem:s16+$0xFFFFFFF0];
	p0 =	slt.u32 s15, $0xF80  }
0x1bd: {  	[tilespmem:v14+s3+$0x0] =	vst.idx.add.f32.msk $0xffff, v17;
	v14 =	vmul.f32 v15, v5  }
0x1be: {  	v20 =	vmul.f32 v13, v2;
	v2 =	vmov v5;
	v5 =	vmov v11;
	[tilespmem:v12+s22+$0x0] =	vst.idx.add.f32.msk $0xffff, v16  }
0x1bf: {  	v11 =	vld.idx.msk [tilespmem:v7+s7+$0x0], $0xffff  }
0x1c0: {  	v13 =	vld.idx.msk [tilespmem:v6+s6+$0x0], $0xffff  }
0x1c1: {  	s13 =	sadd.s32 $0x20, s13;
	[tilespmem:v4+s23+$0x0] =	vst.idx.add.f32.msk $0xffff, v14  }
0x1c2: {  	v12 =	vld [tilespmem:s13+$0x0]  }
0x1c3: {  	s14 =	sadd.s32 $0x20, s14;
	v15 =	vld.idx.msk [tilespmem:v18+s1+$0x0], $0xffff  }
0x1c4: {  	v21 =	vld [tilespmem:s14+$0x0]  }
0x1c5: {  	v14 =	vmul.f32 v11, v8;
	v16 =	vld.idx.msk [tilespmem:v19+s1+$0x0], $0xffff  }
0x1c6: {  	v13 =	vmul.f32 v13, v5;
	v11 =	vld [tilespmem:s14+$0xFFFFFFF0]  }
0x1c7: {  	[tilespmem:v10+s23+$0x0] =	vst.idx.add.f32.msk $0xffff, v14  }
0x1c8: {  	v22 =	vld.idx.msk [tilespmem:v7+s8+$0x0], $0xffff;
	v7 =	vmov v18  }
0x1c9: {  	v14 =	vld [tilespmem:s13+$0xFFFFFFF0];
	v15 =	vmul.f32 v15, v21  }
0x1ca: {  	[tilespmem:v9+s22+$0x0] =	vst.idx.add.f32.msk $0xffff, v13  }
0x1cb: {  	v17 =	vmul.f32 v16, v11;
	[tilespmem:v12+s3+$0x0] =	vst.idx.add.f32.msk $0xffff, v15  }
.Ltmp11:
0x1cc: {  	v16 =	vld.idx.msk [tilespmem:v18+s6+$0x0], $0xffff;
	(pc) =	sbr.rel @p0 .LBB2_25-.Ltmp11, $4  }
0x1cd: {  	v15 =	vld.idx.msk [tilespmem:v6+s7+$0x0], $0xffff  }
0x1ce: {  	v18 =	vmul.f32 v22, v8;
	v8 =	vmovc v21;
	v13 =	vld.idx.msk [tilespmem:v3+s8+$0x0], $0xffff;
	v3 =	vmov v6;
	v6 =	vmov v19  }
0x1cf: {  	[tilespmem:v1+s24+$0x0] =	vst.idx.add.f32.msk $0xffff, v20;
	v1 =	vmov v4;
	v4 =	vmov v9;
	v9 =	vmov v14  }
0x1d0: {  	s16 =	sadd.s32 $0x20, s16;
	[tilespmem:v10+s24+$0x0] =	vst.idx.add.f32.msk $0xffff, v18;
	v10 =	vmov v12  }
0x1d1: {  	_ =	sdelay $0x3  }
0x1d2: {  	[tilespmem:v14+s3+$0x0] =	vst.idx.add.f32.msk $0xffff, v17  }
0x1d3: {  	v14 =	vld.idx.msk [tilespmem:v6+s6+$0x0], $0xffff;
	_ =	sdelay $0x2  }
0x1d4: {  	v16 =	vmul.f32 v16, v8;
	_ =	sdelay $0x1  }
0x1d5: {  	[tilespmem:v12+s22+$0x0] =	vst.idx.add.f32.msk $0xffff, v16;
	v14 =	vmul.f32 v14, v11  }
0x1d6: {  	v12 =	vld.idx.msk [tilespmem:v7+s7+$0x0], $0xffff  }
0x1d7: {  	[tilespmem:v9+s22+$0x0] =	vst.idx.add.f32.msk $0xffff, v14  }
0x1d8: {  	v14 =	vld.idx.msk [tilespmem:v6+s7+$0x0], $0xffff  }
0x1d9: {  	v15 =	vmul.f32 v15, v5;
	_ =	sdelay $0x1  }
0x1da: {  	[tilespmem:v4+s23+$0x0] =	vst.idx.add.f32.msk $0xffff, v15;
	v12 =	vmul.f32 v12, v8  }
0x1db: {  	v3 =	vld.idx.msk [tilespmem:v3+s8+$0x0], $0xffff  }
0x1dc: {  	[tilespmem:v10+s23+$0x0] =	vst.idx.add.f32.msk $0xffff, v12;
	v12 =	vmul.f32 v14, v11  }
0x1dd: {  	v7 =	vld.idx.msk [tilespmem:v7+s8+$0x0], $0xffff  }
0x1de: {  	[tilespmem:v9+s23+$0x0] =	vst.idx.add.f32.msk $0xffff, v12  }
0x1df: {  	v6 =	vld.idx.msk [tilespmem:v6+s8+$0x0], $0xffff  }
0x1e0: {  	v2 =	vmul.f32 v13, v2;
	_ =	sdelay $0x1  }
0x1e1: {  	[tilespmem:v1+s24+$0x0] =	vst.idx.add.f32.msk $0xffff, v2;
	v1 =	vmul.f32 v3, v5  }
0x1e2: {  	s12 =	smin.u32 s12, $0x4B320;
	v7 =	vmul.f32 v7, v8  }
0x1e3: {  	s12 =	sshrl.u32 s12, $0x3;
	[tilespmem:v4+s24+$0x0] =	vst.idx.add.f32.msk $0xffff, v1;
	v2 =	vmul.f32 v6, v11  }
0x1e4: {  	s12 =	sadd.s32 $0x3E8, s12;
	[tilespmem:v10+s24+$0x0] =	vst.idx.add.f32.msk $0xffff, v7  }
0x1e5: {  	s13 =	sadd.s32 s4, s12;
	[tilespmem:v9+s24+$0x0] =	vst.idx.add.f32.msk $0xffff, v2  }
0x1e6: {  	[tilespmem:s25], [sflag:$0x1] =	stream.linear.gather [hbm4b:s13+s3], $0xFA0, $0x38;
	[tilespmem:$0x19C00] =	vst v63  }
0x1e7: {  	s16 =	sadd.s32 s5, s12  }
0x1e8: {  	[tilespmem:s26], [sflag:$0x1] =	stream.linear.gather [hbm4b:s16+s3], $0xFA0, $0x38;
	[tilespmem:$0x19C00] =	vst v63  }
0x1e9: {  	s12 =	sadd.s32 s2, s12  }
0x1ea: {  	[tilespmem:s28], [sflag:$0x1] =	stream.linear.gather [hbm4b:s12+s3], $0xFA0, $0x38;
	[tilespmem:$0x19C00] =	vst v63  }
0x1eb: {  	_ =	swait.ge [sflag:s9], $0xFA0  }
0x1ec: {  	[sflag:s9] =	ssyncset.done $0x0  }
0x1ed: {  	[sflag:s9] =	ssyncadd.s32 $0xFFFFF060  }
0x1ee: {  	_ =	swait.ge [sflag:s9], $0xFA0  }
0x1ef: {  	[sflag:s9] =	ssyncset.done $0x0  }
0x1f0: {  	[sflag:s9] =	ssyncadd.s32 $0xFFFFF060  }
0x1f1: {  	_ =	swait.ge [sflag:s9], $0xFA0  }
0x1f2: {  	[sflag:s9] =	ssyncset.done $0x0  }
0x1f3: {  	s14 =	simm.s32 $0x16C10;
	[sflag:s9] =	ssyncadd.s32 $0xFFFFF060  }
0x1f4: {  	v4 =	vld [tilespmem:s14+$0x0];
	_ =	sdelay $0x4  }
0x1f5: {  	s15 =	simm.s32 $0x17C10  }
0x1f6: {  	s16 =	simm.s32 $0x18C10;
	v6 =	vld [tilespmem:s15+$0x0]  }
0x1f7: {  	v7 =	vld [tilespmem:s16+$0x0]  }
0x1f8: {  	v1 =	vld.idx.msk [tilespmem:v4+s1+$0x0], $0xffff;
	_ =	sdelay $0x1  }
0x1f9: {  	v9 =	vld [tilespmem:s14+$0xFFFFFFF0]  }
0x1fa: {  	s13 =	simm.s32 $0x16C30  }
0x1fb: {  	v10 =	vld [tilespmem:s13+$0x0]  }
0x1fc: {  	v1 =	vmul.f32 v1, v7  }
0x1fd: {  	v2 =	vld [tilespmem:s16+$0xFFFFFFF0]  }
0x1fe: {  	[tilespmem:v6+s3+$0x0] =	vst.idx.add.f32.msk $0xffff, v1  }
0x1ff: {  	s14 =	simm.s32 $0x17C30;
	v3 =	vld.idx.msk [tilespmem:v4+s6+$0x0], $0xffff  }
0x200: {  	v18 =	vld [tilespmem:s14+$0x0]  }
0x201: {  	v5 =	vld.idx.msk [tilespmem:v9+s1+$0x0], $0xffff  }
0x202: {  	v1 =	vld [tilespmem:s15+$0xFFFFFFF0]  }
0x203: {  	v11 =	vld.idx.msk [tilespmem:v10+s1+$0x0], $0xffff;
	s15 =	simm.s32 $0x18C30  }
0x204: {  	v13 =	vld [tilespmem:s15+$0x0];
	v8 =	vmul.f32 v3, v7;
	_ =	sdelay $0x1  }
0x205: {  	[tilespmem:v6+s22+$0x0] =	vst.idx.add.f32.msk $0xffff, v8  }
0x206: {  	v8 =	vld.idx.msk [tilespmem:v4+s7+$0x0], $0xffff  }
0x207: {  	v5 =	vmul.f32 v5, v2;
	v3 =	vld [tilespmem:s13+$0xFFFFFFF0]  }
0x208: {  	v11 =	vmul.f32 v11, v13  }
0x209: {  	[tilespmem:v1+s3+$0x0] =	vst.idx.add.f32.msk $0xffff, v5  }
0x20a: {  	[tilespmem:v18+s3+$0x0] =	vst.idx.add.f32.msk $0xffff, v11  }
0x20b: {  	v12 =	vld.idx.msk [tilespmem:v9+s6+$0x0], $0xffff;
	v5 =	vmul.f32 v8, v7  }
0x20c: {  	v11 =	vld.idx.msk [tilespmem:v10+s6+$0x0], $0xffff  }
0x20d: {  	[tilespmem:v6+s23+$0x0] =	vst.idx.add.f32.msk $0xffff, v5  }
0x20e: {  	v14 =	vld.idx.msk [tilespmem:v4+s8+$0x0], $0xffff  }
0x20f: {  	v8 =	vld.idx.msk [tilespmem:v3+s1+$0x0], $0xffff  }
0x210: {  	v12 =	vmul.f32 v12, v2;
	v5 =	vld [tilespmem:s15+$0xFFFFFFF0]  }
0x211: {  	v11 =	vmul.f32 v11, v13;
	v4 =	vld [tilespmem:s14+$0xFFFFFFF0]  }
0x212: {  	[tilespmem:v1+s22+$0x0] =	vst.idx.add.f32.msk $0xffff, v12  }
0x213: {  	[tilespmem:v18+s22+$0x0] =	vst.idx.add.f32.msk $0xffff, v11;
	v7 =	vmul.f32 v14, v7  }
0x214: {  	v12 =	vld.idx.msk [tilespmem:v9+s7+$0x0], $0xffff  }
0x215: {  	s16 =	simm.s32 $0x16C50;
	[tilespmem:v6+s24+$0x0] =	vst.idx.add.f32.msk $0xffff, v7  }
0x216: {  	v7 =	vld [tilespmem:s16+$0x0]  }
0x217: {  	v11 =	vld.idx.msk [tilespmem:v10+s7+$0x0], $0xffff;
	v8 =	vmul.f32 v8, v5  }
0x218: {  	v6 =	vld [tilespmem:s16+$0xFFFFFFF0]  }
0x219: {  	s12 =	simm.s32 $0x17C50;
	[tilespmem:v4+s3+$0x0] =	vst.idx.add.f32.msk $0xffff, v8  }
0x21a: {  	v8 =	vmul.f32 v12, v2;
	v12 =	vld [tilespmem:s12+$0x0]  }
0x21b: {  	v14 =	vld.idx.msk [tilespmem:v3+s6+$0x0], $0xffff  }
0x21c: {  	s13 =	simm.s32 $0x18C50;
	[tilespmem:v1+s23+$0x0] =	vst.idx.add.f32.msk $0xffff, v8  }
0x21d: {  	v16 =	vmul.f32 v11, v13;
	v8 =	vld [tilespmem:s13+$0x0]  }
0x21e: {  	v15 =	vld.idx.msk [tilespmem:v7+s1+$0x0], $0xffff  }
0x21f: {  	[tilespmem:v18+s23+$0x0] =	vst.idx.add.f32.msk $0xffff, v16  }
0x220: {  	v10 =	vld.idx.msk [tilespmem:v10+s8+$0x0], $0xffff  }
0x221: {  	v11 =	vld [tilespmem:s13+$0xFFFFFFF0]  }
0x222: {  	v16 =	vmul.f32 v14, v5;
	v14 =	vld [tilespmem:s12+$0xFFFFFFF0]  }
0x223: {  	v17 =	vld.idx.msk [tilespmem:v6+s1+$0x0], $0xffff;
	v15 =	vmul.f32 v15, v8  }
0x224: {  	[tilespmem:v4+s22+$0x0] =	vst.idx.add.f32.msk $0xffff, v16  }
0x225: {  	v10 =	vmul.f32 v10, v13;
	[tilespmem:v12+s3+$0x0] =	vst.idx.add.f32.msk $0xffff, v15  }
0x226: {  	v16 =	vld.idx.msk [tilespmem:v7+s6+$0x0], $0xffff  }
0x227: {  	v15 =	vld.idx.msk [tilespmem:v3+s7+$0x0], $0xffff  }
0x228: {  	v13 =	vld.idx.msk [tilespmem:v9+s8+$0x0], $0xffff  }
0x229: {  	s15 =	simm.s32 $0x16C70;
	s14 =	simm.s32 $0x40;
	[tilespmem:v18+s24+$0x0] =	vst.idx.add.f32.msk $0xffff, v10;
	v10 =	vmov v12;
	v9 =	vmov v14;
	v17 =	vmul.f32 v17, v11  }
.LBB2_27:
0x22a: {  	v18 =	vld [tilespmem:s15+$0x0];
	s14 =	sadd.s32 $0x20, s14  }
0x22b: {  	v16 =	vmul.f32 v16, v8;
	v19 =	vld [tilespmem:s15+$0xFFFFFFF0];
	p0 =	slt.u32 s14, $0xF80  }
0x22c: {  	[tilespmem:v14+s3+$0x0] =	vst.idx.add.f32.msk $0xffff, v17;
	v14 =	vmul.f32 v15, v5  }
0x22d: {  	v20 =	vmul.f32 v13, v2;
	v2 =	vmov v5;
	v5 =	vmov v11;
	[tilespmem:v12+s22+$0x0] =	vst.idx.add.f32.msk $0xffff, v16  }
0x22e: {  	v11 =	vld.idx.msk [tilespmem:v7+s7+$0x0], $0xffff  }
0x22f: {  	v13 =	vld.idx.msk [tilespmem:v6+s6+$0x0], $0xffff  }
0x230: {  	s12 =	sadd.s32 $0x20, s12;
	[tilespmem:v4+s23+$0x0] =	vst.idx.add.f32.msk $0xffff, v14  }
0x231: {  	v12 =	vld [tilespmem:s12+$0x0]  }
0x232: {  	s13 =	sadd.s32 $0x20, s13;
	v15 =	vld.idx.msk [tilespmem:v18+s1+$0x0], $0xffff  }
0x233: {  	v21 =	vld [tilespmem:s13+$0x0]  }
0x234: {  	v14 =	vmul.f32 v11, v8;
	v16 =	vld.idx.msk [tilespmem:v19+s1+$0x0], $0xffff  }
0x235: {  	v13 =	vmul.f32 v13, v5;
	v11 =	vld [tilespmem:s13+$0xFFFFFFF0]  }
0x236: {  	[tilespmem:v10+s23+$0x0] =	vst.idx.add.f32.msk $0xffff, v14  }
0x237: {  	v22 =	vld.idx.msk [tilespmem:v7+s8+$0x0], $0xffff;
	v7 =	vmov v18  }
0x238: {  	v14 =	vld [tilespmem:s12+$0xFFFFFFF0];
	v15 =	vmul.f32 v15, v21  }
0x239: {  	[tilespmem:v9+s22+$0x0] =	vst.idx.add.f32.msk $0xffff, v13  }
0x23a: {  	v17 =	vmul.f32 v16, v11;
	[tilespmem:v12+s3+$0x0] =	vst.idx.add.f32.msk $0xffff, v15  }
.Ltmp12:
0x23b: {  	v16 =	vld.idx.msk [tilespmem:v18+s6+$0x0], $0xffff;
	(pc) =	sbr.rel @p0 .LBB2_27-.Ltmp12, $4  }
0x23c: {  	v15 =	vld.idx.msk [tilespmem:v6+s7+$0x0], $0xffff  }
0x23d: {  	v18 =	vmul.f32 v22, v8;
	v8 =	vmovc v21;
	v13 =	vld.idx.msk [tilespmem:v3+s8+$0x0], $0xffff;
	v3 =	vmov v6;
	v6 =	vmov v19  }
0x23e: {  	[tilespmem:v1+s24+$0x0] =	vst.idx.add.f32.msk $0xffff, v20;
	v1 =	vmov v4;
	v4 =	vmov v9;
	v9 =	vmov v14  }
0x23f: {  	s15 =	sadd.s32 $0x20, s15;
	[tilespmem:v10+s24+$0x0] =	vst.idx.add.f32.msk $0xffff, v18;
	v10 =	vmov v12  }
0x240: {  	_ =	sdelay $0x3  }
0x241: {  	[tilespmem:v14+s3+$0x0] =	vst.idx.add.f32.msk $0xffff, v17  }
0x242: {  	v14 =	vld.idx.msk [tilespmem:v6+s6+$0x0], $0xffff;
	_ =	sdelay $0x2  }
0x243: {  	v16 =	vmul.f32 v16, v8;
	_ =	sdelay $0x1  }
0x244: {  	[tilespmem:v12+s22+$0x0] =	vst.idx.add.f32.msk $0xffff, v16;
	v14 =	vmul.f32 v14, v11  }
0x245: {  	v12 =	vld.idx.msk [tilespmem:v7+s7+$0x0], $0xffff  }
0x246: {  	[tilespmem:v9+s22+$0x0] =	vst.idx.add.f32.msk $0xffff, v14  }
0x247: {  	v14 =	vld.idx.msk [tilespmem:v6+s7+$0x0], $0xffff  }
0x248: {  	v15 =	vmul.f32 v15, v5;
	_ =	sdelay $0x1  }
0x249: {  	[tilespmem:v4+s23+$0x0] =	vst.idx.add.f32.msk $0xffff, v15;
	v12 =	vmul.f32 v12, v8  }
0x24a: {  	v3 =	vld.idx.msk [tilespmem:v3+s8+$0x0], $0xffff  }
0x24b: {  	[tilespmem:v10+s23+$0x0] =	vst.idx.add.f32.msk $0xffff, v12;
	v62 =	vmul.f32 v14, v11  }
0x24c: {  	v61 =	vld.idx.msk [tilespmem:v7+s8+$0x0], $0xffff  }
0x24d: {  	[tilespmem:v9+s23+$0x0] =	vst.idx.add.f32.msk $0xffff, v62  }
0x24e: {  	v63 =	vld.idx.msk [tilespmem:v6+s8+$0x0], $0xffff  }
0x24f: {  	s11 =	sadd.s32 $0x1, s11;
	v2 =	vmul.f32 v13, v2  }
0x250: {  	p0 =	sne.s32 s11, $0x28  }
.Ltmp13:
0x251: {  	[tilespmem:v1+s24+$0x0] =	vst.idx.add.f32.msk $0xffff, v2;
	v1 =	vmul.f32 v3, v5;
	(pc) =	sbr.rel @p0 .LBB2_24-.Ltmp13, $4  }
0x252: {  	v7 =	vmul.f32 v61, v8  }
0x253: {  	[tilespmem:v4+s24+$0x0] =	vst.idx.add.f32.msk $0xffff, v1;
	v2 =	vmul.f32 v63, v11  }
0x254: {  	[tilespmem:v10+s24+$0x0] =	vst.idx.add.f32.msk $0xffff, v7  }
0x255: {  	[tilespmem:v9+s24+$0x0] =	vst.idx.add.f32.msk $0xffff, v2  }
0x256: {  	_ =	swait.ge [sflag:s0], $0xFA0  }
0x257: {  	[sflag:s0] =	ssyncset.done $0x0  }
0x258: {  	[sflag:s0] =	ssyncadd.s32 $0xFFFFF060  }
0x259: {  	_ =	swait.ge [sflag:s0], $0xFA0  }
0x25a: {  	[sflag:s0] =	ssyncset.done $0x0  }
0x25b: {  	[sflag:s0] =	ssyncadd.s32 $0xFFFFF060  }
0x25c: {  	_ =	swait.ge [sflag:s0], $0xFA0  }
0x25d: {  	[sflag:s0] =	ssyncset.done $0x0  }
0x25e: {  	s11 =	rddreg [dreg:$0xb];
	[sflag:s0] =	ssyncadd.s32 $0xFFFFF060  }
0x25f: {  	[hbm4b:s11+s19] =	stream.strided.scatter [tilespmem:s3], [sflag:$0x3], $0x2780, s20, s19, $0x38;
	[tilespmem:$0x19C00] =	vst v63  }
0x260: {  	_ =	swait.ge [sflag:s21], $0x2780  }
0x261: {  	[sflag:s21] =	ssyncset.done $0x0  }
0x262: {  	s15 =	rddreg [dreg:$0xc];
	[sflag:s21] =	ssyncadd.s32 $0xFFFFD880  }
0x263: {  	[hbm4b:s15+s19] =	stream.strided.scatter [tilespmem:s22], [sflag:$0x3], $0x2780, s20, s19, $0x38;
	[tilespmem:$0x19C00] =	vst v63  }
0x264: {  	_ =	swait.ge [sflag:s21], $0x2780  }
0x265: {  	[sflag:s21] =	ssyncset.done $0x0  }
0x266: {  	s16 =	rddreg [dreg:$0xd];
	[sflag:s21] =	ssyncadd.s32 $0xFFFFD880  }
0x267: {  	[hbm4b:s16+s19] =	stream.strided.scatter [tilespmem:s23], [sflag:$0x3], $0x2780, s20, s19, $0x38;
	[tilespmem:$0x19C00] =	vst v63  }
0x268: {  	s10 =	sadd.s32 $0x1, s10;
	_ =	swait.ge [sflag:s21], $0x2780  }
0x269: {  	p0 =	sne.s32 s10, s18;
	[sflag:s21] =	ssyncset.done $0x0  }
.Ltmp14:
0x26a: {  	[sflag:s21] =	ssyncadd.s32 $0xFFFFD880;
	(pc) =	sbr.rel @p0 .LBB2_1-.Ltmp14, $4  }
0x26b: {  	[hbm4b:s17+s19] =	stream.strided.scatter [tilespmem:s24], [sflag:$0x3], $0x2780, s20, s19, $0x38;
	[tilespmem:$0x19C00] =	vst v63  }
0x26c: {  	_ =	swait.ge [sflag:s21], $0x2780  }
0x26d: {  	[sflag:s21] =	ssyncset.done $0x0  }
0x26e: {  	[sflag:s21] =	ssyncadd.s32 $0xFFFFD880  }
0x26f: {  	_ =	sfence.sel $0x180000  }
0x270: {  	[bflag:$0x0] =	sbarrier.arrive $0xFFFF  }
0x271: {  	_ =	strace $0x9000004D  }
0x272: {  	s0 =	stileid.u32;
	[bflag:$0x2] =	sbarrier.arrive $0xFFFF  }
0x273: {  	p0 =	sne.s32 s0, $0x0;
	s0 =	rddreg [dreg:$0x2]  }
0x274: {  	s0 =	sadd.s32 @!p0 $0x100000, s0  }
0x275: {  	[sflag:s0] =	ssyncadd.tile.s32 @!p0 $0x1;
	_ =	shalt  }
.Lfunc_end2:
_tile_overlayer_lowered:
.L_overlay_start_2:
0x276: {  	(tag) =	ssettag $0x2  }
0x277: {  	s0 =	rddreg [dreg:$0x0];
	s2 =	stileid.u32  }
0x278: {  	s1 =	rddreg [dreg:$0x1];
	p0 =	sne.s32 s2, $0x0  }
0x279: {  	s3 =	rddreg [dreg:$0x2];
	[bflag:$0x3] =	sbarrier.arrive $0xFFFF;
	s2 =	simm.s32 @!p0 $0x1C03  }
0x27a: {  	[timem:s3], [sflag:s2] =	dma.local @!p0 [hbm:s0], s1  }
0x27b: {  	s0 =	simm.s32 @!p0 $0x3  }
0x27c: {  	_ =	swait.ge @!p0 [sflag:s0], s1  }
0x27d: {  	s1 =	ssub.s32 @!p0 $0x0, s1;
	[sflag:s0] =	ssyncset.done @!p0 $0x0  }
0x27e: {  	[sflag:s0] =	ssyncadd.s32 @!p0 s1  }
0x27f: {  	[bflag:$0x3] =	sbarrier.arrive $0xFFFF  }
0x280: {  	_ =	shalt  }

// kernel: kernel.6.cloned.1.call-start
scs
__scs_entry_jumppad:
0x0: {  	(pc) =	sbr.rel $0x88, $3  }
0x1: {  	(tag) =	ssettag $0x0;
	lr =	simm.s32 $0x1  }
0x2: {  	[smem:$0x3F9C] =	sst lr;
	_ =	strace $0xD0000000  }
0x3: {  	_ = 	snop  }
0x4: {  	_ = 	snop  }
0x5: {  	_ = 	snop  }
0x6: {  	_ = 	snop  }
0x7: {  	_ = 	snop  }
__scs_overlays_trampoline_lowered:
0x8: {  	[smem:$0x3FAB] =	sst s0  }
0x9: {  	[smem:$0x3FAC] =	sst s1  }
0xa: {  	[smem:$0x3FAD] =	sst s2  }
0xb: {  	[smem:$0x3FAE] =	sst s3  }
0xc: {  	[smem:$0x3FAF] =	sst s4  }
0xd: {  	[smem:$0x3FB0] =	sst s5  }
0xe: {  	[smem:$0x3FB1] =	sst s6  }
0xf: {  	[smem:$0x3FB2] =	sst s7  }
0x10: {  	[smem:$0x3FB3] =	sst s8  }
0x11: {  	[smem:$0x3FB4] =	sst s9;
	s0 =	simm.s32 @!p0 $0x0  }
0x12: {  	s1 =	sld [smem:$0x3F9A];
	s0 =	simm.s32 @p0 $0x1  }
0x13: {  	[smem:$0x3FB5] =	sst s0;
	s0 =	simm.s32 @!p1 $0x0  }
0x14: {  	s2 =	sld [smem:$0x3F99];
	s0 =	simm.s32 @p1 $0x1  }
0x15: {  	[smem:$0x3FB6] =	sst s0;
	s0 =	simm.s32 @!p2 $0x0  }
0x16: {  	s3 =	sld [smem:$0x3FDB];
	s0 =	simm.s32 @p2 $0x1  }
0x17: {  	s4 =	simm.s32 $0x1BF5;
	[smem:$0x3FB8] =	sst s0  }
0x18: {  	s0 =	sld [smem:$0x3F9B];
	_ =	swait.ge [sflag:s4], $0x0  }
0x19: {  	s7 =	sld [smem:$0x3F9C]  }
0x1a: {  	s8 =	sadd.s32 $0xFFFFE003, lr  }
0x1b: {  	s9 =	sadd.s32 $0xFFFFFEF7, lr;
	s5 =	simm.s32 $0xFFFFFFFF;
	p2 =	slt.u32 s8, $0xFFFFF086  }
0x1c: {  	p1 =	slt.u32 s9, $0xF7A;
	s5 =	simm.s32 @!p2 $0x0  }
0x1d: {  	s5 =	simm.s32 @p1 $0x1;
	p0 =	seq.s32 s7, s2  }
0x1e: {  	s7 =	smul.u32 @!p0 $0xF7A, s2;
	p2 =	seq.s32 @!p0 s5, $0x0  }
0x1f: {  	s9 =	smul.u32 $0xF7A, s1;
	s8 =	simm.s32 @!p0 $0x1BF5;
	p2 =	por !p2, p0  }
0x20: {  	[sflag:s8] =	ssyncset.s32 @!p0 $0xFFFFF086;
	s6 =	sadd.s32 @!p0 s3, s7;
	s7 =	simm.s32 @!p0 $0x108  }
0x21: {  	s3 =	sadd.s32 s3, s9;
	s6 =	sadd.s32 @!p0 $0x88, s6;
	s7 =	simm.s32 @p2 $0x1082  }
0x22: {  	[simem:s7], [sflag:s8] =	dma.local @!p0 [hbm:s6], $0xF7A  }
0x23: {  	s9 =	sor.u32 $0xD0000000, s2;
	s6 =	simm.s32 $0x108;
	_ =	swait.ge @!p0 [sflag:s8], $0x0  }
0x24: {  	s3 =	sadd.s32 $0x88, s3;
	s6 =	simm.s32 @!p1 $0x1082;
	[sflag:s4] =	ssyncset.s32 $0xFFFFF086  }
0x25: {  	[simem:s6], [sflag:s4] =	dma.local [hbm:s3], $0xF7A  }
0x26: {  	[smem:$0x3F9C] =	sst s1;
	(tag) =	ssettag s2;
	_ =	strace s9  }
0x27: {  	s1 =	sld [smem:$0x3FAC]  }
0x28: {  	s2 =	sld [smem:$0x3FAD]  }
0x29: {  	s4 =	sld [smem:$0x3FAF]  }
0x2a: {  	p0 =	seq.s32 s5, $0x0;
	s5 =	sld [smem:$0x3FB0]  }
0x2b: {  	s6 =	sld [smem:$0x3FB1]  }
0x2c: {  	s7 =	sld [smem:$0x3FB2]  }
0x2d: {  	s3 =	simm.s32 $0x108;
	s8 =	sld [smem:$0x3FB3]  }
0x2e: {  	s3 =	simm.s32 @!p0 $0x1082;
	s9 =	sld [smem:$0x3FB4]  }
0x2f: {  	lr =	sadd.s32 s0, s3;
	s0 =	sld [smem:$0x3FAB]  }
0x30: {  	s3 =	sld [smem:$0x3FAE]  }
0x31: {  	[smem:$0x3FB7] =	sst s10  }
0x32: {  	s10 =	sld [smem:$0x3FB5];
	_ =	sdelay $0x3  }
0x33: {  	p0 =	seq.s32 s10, $0x1;
	s10 =	sld [smem:$0x3FB7];
	_ =	sdelay $0x3  }
0x34: {  	[smem:$0x3FB7] =	sst s10  }
0x35: {  	s10 =	sld [smem:$0x3FB6];
	_ =	sdelay $0x3  }
0x36: {  	p1 =	seq.s32 s10, $0x1;
	s10 =	sld [smem:$0x3FB7];
	_ =	sdelay $0x3  }
0x37: {  	[smem:$0x3FB7] =	sst s10  }
0x38: {  	s10 =	sld [smem:$0x3FB8]  }
0x39: {  	_ = 	snop;
	(pc) =	sbr.ind lr, $3  }
0x3a: {  	_ = 	snop  }
0x3b: {  	_ = 	snop  }
0x3c: {  	p2 =	seq.s32 s10, $0x1;
	s10 =	sld [smem:$0x3FB7]  }
0x3d: {  	_ =	shalt  }
0x3e: {  	_ =	shalt  }
0x3f: {  	_ =	shalt  }
0x40: {  	_ =	shalt  }
0x41: {  	_ =	shalt  }
0x42: {  	_ =	shalt  }
0x43: {  	_ =	shalt  }
0x44: {  	_ =	shalt  }
0x45: {  	_ =	shalt  }
0x46: {  	_ =	shalt  }
0x47: {  	_ =	shalt  }
0x48: {  	_ =	shalt  }
0x49: {  	_ =	shalt  }
0x4a: {  	_ =	shalt  }
0x4b: {  	_ =	shalt  }
0x4c: {  	_ =	shalt  }
0x4d: {  	_ =	shalt  }
0x4e: {  	_ =	shalt  }
0x4f: {  	_ =	shalt  }
0x50: {  	_ =	shalt  }
0x51: {  	_ =	shalt  }
0x52: {  	_ =	shalt  }
0x53: {  	_ =	shalt  }
0x54: {  	_ =	shalt  }
0x55: {  	_ =	shalt  }
0x56: {  	_ =	shalt  }
0x57: {  	_ =	shalt  }
0x58: {  	_ =	shalt  }
0x59: {  	_ =	shalt  }
0x5a: {  	_ =	shalt  }
0x5b: {  	_ =	shalt  }
0x5c: {  	_ =	shalt  }
0x5d: {  	_ =	shalt  }
0x5e: {  	_ =	shalt  }
0x5f: {  	_ =	shalt  }
0x60: {  	_ =	shalt  }
0x61: {  	_ =	shalt  }
0x62: {  	_ =	shalt  }
0x63: {  	_ =	shalt  }
0x64: {  	_ =	shalt  }
0x65: {  	_ =	shalt  }
0x66: {  	_ =	shalt  }
0x67: {  	_ =	shalt  }
0x68: {  	_ =	shalt  }
0x69: {  	_ =	shalt  }
0x6a: {  	_ =	shalt  }
0x6b: {  	_ =	shalt  }
0x6c: {  	_ =	shalt  }
0x6d: {  	_ =	shalt  }
0x6e: {  	_ =	shalt  }
0x6f: {  	_ =	shalt  }
0x70: {  	_ =	shalt  }
0x71: {  	_ =	shalt  }
0x72: {  	_ =	shalt  }
0x73: {  	_ =	shalt  }
0x74: {  	_ =	shalt  }
0x75: {  	_ =	shalt  }
0x76: {  	_ =	shalt  }
0x77: {  	_ =	shalt  }
0x78: {  	_ =	shalt  }
0x79: {  	_ =	shalt  }
0x7a: {  	_ =	shalt  }
0x7b: {  	_ =	shalt  }
0x7c: {  	_ =	shalt  }
0x7d: {  	_ =	shalt  }
0x7e: {  	_ =	shalt  }
0x7f: {  	_ =	shalt  }
0x80: {  	_ =	shalt  }
0x81: {  	_ =	shalt  }
0x82: {  	_ =	shalt  }
0x83: {  	_ =	shalt  }
0x84: {  	_ =	shalt  }
0x85: {  	_ =	shalt  }
0x86: {  	_ =	shalt  }
0x87: {  	_ =	shalt  }
.Lfunc_end0:
.L_simem_size_0:
called_computation_lowered:
.L_overlay_start_0:
0x88: {  	s2 =	sld [smem:$0x3FD9]  }
0x89: {  	s3 =	sld [smem:$0x3FFE];
	_ =	sdelay $0x1  }
0x8a: {  	s1 =	srdreg.scid  }
0x8b: {  	s0 =	sand.u32 $0x1, s1  }
0x8c: {  	s17 =	sshll.u32 s0, $0xA;
	s2 =	sadd.s32 s3, s2  }
0x8d: {  	s2 =	sadd.s32 s2, s17  }
0x8e: {  	[smem:$0x3FC3] =	sst s2  }
0x8f: {  	_ = 	snop  }
0x90: {  	s2 =	sld [smem:$0x3FC7]  }
0x91: {  	s18 =	sld [smem:$0x3FD0];
	(tm) =	ssettm $0x1  }
0x92: {  	s4 =	sld [smem:$0x3FFB];
	_ =	sdelay $0x3  }
0x93: {  	_ =	strace s4  }
0x94: {  	s4 =	sld [smem:$0x3FFC];
	_ =	sdelay $0x3  }
0x95: {  	_ =	strace s4  }
0x96: {  	s4 =	sld [smem:$0x3FFD];
	_ =	sdelay $0x3  }
0x97: {  	_ =	strace s4  }
0x98: {  	_ =	strace $0x8FFFFFFF  }
0x99: {  	s19 =	sld [smem:$0x3FDB];
	_ =	sdelay $0x1  }
0x9a: {  	s5 =	simm.s32 $_scs_section_size  }
0x9b: {  	s6 =	simm.s32 $_size__tile_overlayer_lowered;
	s7 =	simm.s32 $_tile_overlayer_lowered  }
0x9c: {  	s22 =	simm.s32 $0x1BFF;
	s21 =	sshll.u32 s7, $0x1;
	s4 =	sadd.s32 s5, s19  }
0x9d: {  	s8 =	simm.s32 $0x0;
	s20 =	sshll.u32 s6, $0x1;
	s6 =	sadd.s32 s21, s4  }
0x9e: {  	[timem:s8], [sflag:s22] =	dma.local [hbm:s6], s20  }
0x9f: {  	_ =	swait.ge [sflag:s22], s20  }
0xa0: {  	s5 =	ssub.s32 $0x0, s20;
	[sflag:s22] =	ssyncset.done $0x0  }
0xa1: {  	[sflag:s22] =	ssyncadd.s32 s5;
	_ =	sdelay $0x1  }
0xa2: {  	s23 =	simm.s32 $0x1B8B  }
0xa3: {  	_ =	swait.ge [sflag:s23], $0x1  }
0xa4: {  	[sflag:s23] =	ssyncset.done $0x0  }
0xa5: {  	s25 =	simm.s32 $0x1B8E;
	s24 =	sld [smem:$0x3FFE];
	[sflag:s23] =	ssyncadd.s32 $0xFFFFFFFF  }
0xa6: {  	s26 =	simm.s32 $execute0_lowered;
	[smem:$0x3FD2] =	sst s25  }
0xa7: {  	s6 =	sshll.u32 s26, $0x1;
	_ =	strace $0x80000046;
	[dreg:$0x1] =	wrdreg $0xFFFFFFFF  }
0xa8: {  	s28 =	simm.s32 $_size_execute0_lowered;
	s4 =	sadd.s32 s4, s6;
	[dreg:$0x0] =	wrdreg $0x0  }
0xa9: {  	s6 =	sshll.u32 s28, $0x1;
	[dreg:$0x2] =	wrdreg s4  }
0xaa: {  	[dreg:$0x3] =	wrdreg s6  }
0xab: {  	[dreg:$0x4] =	wrdreg $0xC0  }
0xac: {  	_ =	task [dreg:s8], $0x5FFFF  }
0xad: {  	[dreg:$0x1] =	wrdreg $0xFFFFFFFF  }
0xae: {  	[dreg:$0x0] =	wrdreg $0x60  }
0xaf: {  	[dreg:$0x2] =	wrdreg s24  }
0xb0: {  	[dreg:$0x3] =	wrdreg s2  }
0xb1: {  	[dreg:$0x4] =	wrdreg s18  }
0xb2: {  	[dreg:$0x5] =	wrdreg $0x9  }
0xb3: {  	_ =	task.clear_ibuf [dreg:s8], $0x6FFFF;
	_ =	strace $0x90000046  }
0xb4: {  	s29 =	simm.s32 $0x9;
	_ =	strace $0x80000048  }
0xb5: {  	_ =	swait.ge [sflag:s29], $0x1  }
0xb6: {  	[sflag:s29] =	ssyncadd.s32 $0xFFFFFFFF  }
0xb7: {  	_ =	strace $0x90000048  }
0xb8: {  	_ =	sfence  }
0xb9: {  	s30 =	sld [smem:$0x0];
	_ =	sdelay $0x2  }
0xba: {  	s31 =	sshll.u32 s1, $0xD;
	s1 =	sshrl.u32 s1, $0x2  }
0xbb: {  	s3 =	sand.u32 $0x4000, s31;
	s1 =	sadd.s32 s1, s30  }
0xbc: {  	s0 =	sor.u32 s3, s0;
	s1 =	sshll.u32 s1, $0x11  }
0xbd: {  	s0 =	sor.u32 s1, s0  }
0xbe: {  	s0 =	sadd.s32 $0x8F2B, s0  }
0xbf: {  	[sflag:s0] =	ssyncadd.remote.s32 $0x1  }
0xc0: {  	_ =	sfence.sel $0xFFFF  }
0xc1: {  	[dreg:$0x0] =	wrdreg $0xFFFFFFFF;
	(pc) =	sbr.abs _section_cstart, $3  }
0xc2: {  	[dreg:$0x1] =	wrdreg $0xFFFFFFFF  }
0xc3: {  	_ =	task.clear_ibuf [dreg:s8], $0x2FFFF;
	_ =	strace $0x9FFFFFFF  }
0xc4: {  	(tm) =	ssettm $0x7FFFFFFF  }
0xc5: {  	_ =	shalt  }
tec
execute0_lowered:
.L_overlay_start_1:
0x0: {  	(tag) =	ssettag $0x1  }
0x1: {  	s3 =	rddreg [dreg:$0x0]  }
0x2: {  	s5 =	rddreg [dreg:$0x1]  }
0x3: {  	s6 =	rddreg [dreg:$0x2]  }
0x4: {  	s1 =	srdreg.scid;
	s0 =	rddreg [dreg:$0x3]  }
0x5: {  	s2 =	simm.s32 $0x0;
	s12 =	simm.s32 $0x80;
	s13 =	simm.s32 $0x400  }
0x6: {  	s14 =	simm.s32 $0x0;
	s4 =	sand.u32 $0x1, s1;
	[smem:$0x7FF] =	sst s2  }
0x7: {  	s1 =	stileid.u32;
	s7 =	sshll.u32 s4, $0x4;
	_ =	strace $0x80000047  }
0x8: {  	s4 =	ssub.s32 $0x2, s4;
	s9 =	sshll.u32 s1, $0x7;
	s7 =	sor.u32 s1, s7  }
0x9: {  	s31 =	sshrl.u32 s4, $0x1;
	s8 =	smul.u32 $0x4E2, s7;
	s7 =	sshrl.u32 s7, $0x3  }
0xa: {  	s9 =	sand.u32 $0x380, s9;
	s11 =	ssub.s32 s4, s31;
	s7 =	smul.u32 $0x13C00, s7  }
0xb: {  	s10 =	sadd.s32 s8, s3;
	s5 =	sadd.s32 s5, s8;
	s8 =	simm.s32 $0x1  }
0xc: {  	s3 =	sadd.s32 $0xB000, s10;
	s7 =	sor.u32 s9, s7;
	s4 =	sadd.s32 $0x1200, s10  }
0xd: {  	s9 =	simm.s32 $0x2780;
	s10 =	simm.s32 $0x4F00;
	s7 =	sshrl.u32 s7, $0x3  }
0xe: {  	v0 =	vimm.f32 $0.0e+00;
	s6 =	sadd.s32 s6, s7;
	s7 =	smax.u32 s11, $0x1;
	s11 =	simm.s32 $0x7680  }
.LBB2_1:
0xf: {  	[tilespmem:s2], [sflag:$0x1] =	stream.linear.gather [hbm4b:s3+s2], $0x2710, $0x38;
	[tilespmem:$0x9E00] =	vst v63  }
0x10: {  	_ =	swait.ge [sflag:s8], $0x2710  }
0x11: {  	[sflag:s8] =	ssyncset.done $0x0  }
0x12: {  	[sflag:s8] =	ssyncadd.s32 $0xFFFFD8F0  }
0x13: {  	[tilespmem:s9], [sflag:$0x1] =	stream.linear.gather [hbm4b:s4+s2], $0x2710, $0x38;
	[tilespmem:$0x9E00] =	vst v63  }
0x14: {  	_ =	swait.ge [sflag:s8], $0x2710  }
0x15: {  	[sflag:s8] =	ssyncset.done $0x0  }
0x16: {  	[sflag:s8] =	ssyncadd.s32 $0xFFFFD8F0  }
0x17: {  	[tilespmem:s10], [sflag:$0x1] =	stream.linear.gather [hbm4b:s5+s2], $0x2710, $0x38;
	[tilespmem:$0x9E00] =	vst v63  }
0x18: {  	_ =	swait.ge [sflag:s8], $0x2710  }
0x19: {  	[sflag:s8] =	ssyncset.done $0x0  }
0x1a: {  	s15 =	simm.s32 $0x7690;
	[sflag:s8] =	ssyncadd.s32 $0xFFFFD8F0  }
0x1b: {  	s16 =	simm.s32 $0x0;
	[tilespmem:s15+$0xFFFFFFF0] =	vst v0  }
.LBB2_2:
0x1c: {  	s16 =	sadd.s32 $0x20, s16  }
0x1d: {  	p0 =	slt.u32 s16, $0x26E0  }
.Ltmp0:
0x1e: {  	_ = 	snop;
	(pc) =	sbr.rel @p0 .LBB2_2-.Ltmp0, $3  }
0x1f: {  	_ =	sdelay $0x1  }
0x20: {  	[tilespmem:s15+$0x0] =	vst v0;
	s15 =	sadd.s32 $0x20, s15  }
0x21: {  	[tilespmem:s15+$0xFFFFFFF0] =	vst v0  }
0x22: {  	[tilespmem:s15+$0x0] =	vst v0  }
0x23: {  	s17 =	simm.s32 $0x10;
	[tilespmem:$0x9D80] =	vst v0  }
0x24: {  	s15 =	simm.s32 $0x2790;
	v4 =	vld [tilespmem:s17+$0x0]  }
0x25: {  	v2 =	vld [tilespmem:s15+$0x0]  }
0x26: {  	s16 =	simm.s32 $0x4F10  }
0x27: {  	v5 =	vld [tilespmem:s16+$0x0]  }
0x28: {  	v1 =	vld [tilespmem:s17+$0xFFFFFFF0]  }
0x29: {  	v3 =	vld [tilespmem:s15+$0xFFFFFFF0]  }
0x2a: {  	vm0 =	veq.s32 v4, v2;
	v2 =	vld [tilespmem:s16+$0xFFFFFFF0];
	_ =	sdelay $0x1  }
0x2b: {  	v5 =	vsel vm0, $0x0, v5  }
0x2c: {  	s18 =	simm.s32 $0x30;
	s17 =	simm.s32 $0x0;
	[tilespmem:v4+s11+$0x0] =	vst.idx.add.f32.msk $0xffff, v5  }
.LBB2_4:
0x2d: {  	v4 =	vld [tilespmem:s18+$0x0];
	s17 =	sadd.s32 $0x20, s17;
	vm0 =	veq.s32 v1, v3;
	s15 =	sadd.s32 $0x20, s15  }
0x2e: {  	s16 =	sadd.s32 $0x20, s16;
	v5 =	vld [tilespmem:s15+$0x0];
	p0 =	slt.u32 s17, $0x26E0;
	v6 =	vsel vm0, $0x0, v2  }
0x2f: {  	v7 =	vld [tilespmem:s16+$0x0]  }
0x30: {  	v8 =	vld [tilespmem:s18+$0xFFFFFFF0]  }
.Ltmp1:
0x31: {  	v3 =	vld [tilespmem:s15+$0xFFFFFFF0];
	(pc) =	sbr.rel @p0 .LBB2_4-.Ltmp1, $4  }
0x32: {  	v2 =	vld [tilespmem:s16+$0xFFFFFFF0]  }
0x33: {  	vm0 =	veq.s32 v4, v5;
	[tilespmem:v1+s11+$0x0] =	vst.idx.add.f32.msk $0xffff, v6  }
0x34: {  	v5 =	vsel vm0, $0x0, v7  }
0x35: {  	s18 =	sadd.s32 $0x20, s18;
	[tilespmem:v4+s11+$0x0] =	vst.idx.add.f32.msk $0xffff, v5;
	v1 =	vmov v8  }
0x36: {  	_ =	sdelay $0x1  }
0x37: {  	vm0 =	veq.s32 v1, v3  }
0x38: {  	v2 =	vsel vm0, $0x0, v2  }
0x39: {  	[tilespmem:v1+s11+$0x0] =	vst.idx.add.f32.msk $0xffff, v2  }
0x3a: {  	v1 =	vld [tilespmem:$0x2700]  }
0x3b: {  	v2 =	vld [tilespmem:$0x4E80]  }
0x3c: {  	v3 =	vld [tilespmem:$0x7600];
	_ =	sdelay $0x3  }
0x3d: {  	s14 =	sadd.s32 $0x1, s14;
	vm15 =	veq.s32 v1, v2  }
0x3e: {  	p0 =	sne.s32 s14, s7;
	v2 =	vsel vm15, $0x0, v3  }
.Ltmp2:
0x3f: {  	[tilespmem:v1+s11+$0x0] =	vst.idx.add.f32.msk $0xffff, v2;
	(pc) =	sbr.rel @p0 .LBB2_1-.Ltmp2, $4  }
0x40: {  	[hbm4b:s6+s12] =	stream.strided.scatter [tilespmem:s11], [sflag:$0x1], $0x2780, s13, s12, $0x38;
	[tilespmem:$0x9E00] =	vst v63  }
0x41: {  	_ =	swait.ge [sflag:s8], $0x2780  }
0x42: {  	[sflag:s8] =	ssyncset.done $0x0  }
0x43: {  	[sflag:s8] =	ssyncadd.s32 $0xFFFFD880  }
0x44: {  	_ =	sfence.sel $0x180000  }
0x45: {  	[bflag:$0x0] =	sbarrier.arrive $0xFFFF  }
0x46: {  	p0 =	sne.s32 s1, $0x0;
	_ =	strace $0x90000047  }
0x47: {  	s0 =	sadd.s32 @!p0 $0x100000, s0;
	[bflag:$0x2] =	sbarrier.arrive $0xFFFF  }
0x48: {  	[sflag:s0] =	ssyncadd.tile.s32 @!p0 $0x1;
	_ =	shalt  }
.Lfunc_end2:
_tile_overlayer_lowered:
.L_overlay_start_2:
0x49: {  	(tag) =	ssettag $0x2  }
0x4a: {  	s0 =	rddreg [dreg:$0x0];
	s2 =	stileid.u32  }
0x4b: {  	s1 =	rddreg [dreg:$0x1];
	p0 =	sne.s32 s2, $0x0  }
0x4c: {  	s3 =	rddreg [dreg:$0x2];
	[bflag:$0x3] =	sbarrier.arrive $0xFFFF;
	s2 =	simm.s32 @!p0 $0x1C01  }
0x4d: {  	[timem:s3], [sflag:s2] =	dma.local @!p0 [hbm:s0], s1  }
0x4e: {  	s0 =	simm.s32 @!p0 $0x1  }
0x4f: {  	_ =	swait.ge @!p0 [sflag:s0], s1  }
0x50: {  	s1 =	ssub.s32 @!p0 $0x0, s1;
	[sflag:s0] =	ssyncset.done @!p0 $0x0  }
0x51: {  	[sflag:s0] =	ssyncadd.s32 @!p0 s1  }
0x52: {  	[bflag:$0x3] =	sbarrier.arrive $0xFFFF  }
0x53: {  	_ =	shalt  }

// kernel: kernel.9.cloned.1.call-start
scs
__scs_entry_jumppad:
0x0: {  	(pc) =	sbr.rel $0x88, $3  }
0x1: {  	(tag) =	ssettag $0x0;
	lr =	simm.s32 $0x1  }
0x2: {  	[smem:$0x3F9C] =	sst lr;
	_ =	strace $0xD0000000  }
0x3: {  	_ = 	snop  }
0x4: {  	_ = 	snop  }
0x5: {  	_ = 	snop  }
0x6: {  	_ = 	snop  }
0x7: {  	_ = 	snop  }
__scs_overlays_trampoline_lowered:
0x8: {  	[smem:$0x3FAB] =	sst s0  }
0x9: {  	[smem:$0x3FAC] =	sst s1  }
0xa: {  	[smem:$0x3FAD] =	sst s2  }
0xb: {  	[smem:$0x3FAE] =	sst s3  }
0xc: {  	[smem:$0x3FAF] =	sst s4  }
0xd: {  	[smem:$0x3FB0] =	sst s5  }
0xe: {  	[smem:$0x3FB1] =	sst s6  }
0xf: {  	[smem:$0x3FB2] =	sst s7  }
0x10: {  	[smem:$0x3FB3] =	sst s8  }
0x11: {  	[smem:$0x3FB4] =	sst s9;
	s0 =	simm.s32 @!p0 $0x0  }
0x12: {  	s1 =	sld [smem:$0x3F9A];
	s0 =	simm.s32 @p0 $0x1  }
0x13: {  	[smem:$0x3FB5] =	sst s0;
	s0 =	simm.s32 @!p1 $0x0  }
0x14: {  	s2 =	sld [smem:$0x3F99];
	s0 =	simm.s32 @p1 $0x1  }
0x15: {  	[smem:$0x3FB6] =	sst s0;
	s0 =	simm.s32 @!p2 $0x0  }
0x16: {  	s3 =	sld [smem:$0x3FDB];
	s0 =	simm.s32 @p2 $0x1  }
0x17: {  	s4 =	simm.s32 $0x1BF5;
	[smem:$0x3FB8] =	sst s0  }
0x18: {  	s0 =	sld [smem:$0x3F9B];
	_ =	swait.ge [sflag:s4], $0x0  }
0x19: {  	s7 =	sld [smem:$0x3F9C]  }
0x1a: {  	s8 =	sadd.s32 $0xFFFFE003, lr  }
0x1b: {  	s9 =	sadd.s32 $0xFFFFFEF7, lr;
	s5 =	simm.s32 $0xFFFFFFFF;
	p2 =	slt.u32 s8, $0xFFFFF086  }
0x1c: {  	p1 =	slt.u32 s9, $0xF7A;
	s5 =	simm.s32 @!p2 $0x0  }
0x1d: {  	s5 =	simm.s32 @p1 $0x1;
	p0 =	seq.s32 s7, s2  }
0x1e: {  	s7 =	smul.u32 @!p0 $0xF7A, s2;
	p2 =	seq.s32 @!p0 s5, $0x0  }
0x1f: {  	s9 =	smul.u32 $0xF7A, s1;
	s8 =	simm.s32 @!p0 $0x1BF5;
	p2 =	por !p2, p0  }
0x20: {  	[sflag:s8] =	ssyncset.s32 @!p0 $0xFFFFF086;
	s6 =	sadd.s32 @!p0 s3, s7;
	s7 =	simm.s32 @!p0 $0x108  }
0x21: {  	s3 =	sadd.s32 s3, s9;
	s6 =	sadd.s32 @!p0 $0x88, s6;
	s7 =	simm.s32 @p2 $0x1082  }
0x22: {  	[simem:s7], [sflag:s8] =	dma.local @!p0 [hbm:s6], $0xF7A  }
0x23: {  	s9 =	sor.u32 $0xD0000000, s2;
	s6 =	simm.s32 $0x108;
	_ =	swait.ge @!p0 [sflag:s8], $0x0  }
0x24: {  	s3 =	sadd.s32 $0x88, s3;
	s6 =	simm.s32 @!p1 $0x1082;
	[sflag:s4] =	ssyncset.s32 $0xFFFFF086  }
0x25: {  	[simem:s6], [sflag:s4] =	dma.local [hbm:s3], $0xF7A  }
0x26: {  	[smem:$0x3F9C] =	sst s1;
	(tag) =	ssettag s2;
	_ =	strace s9  }
0x27: {  	s1 =	sld [smem:$0x3FAC]  }
0x28: {  	s2 =	sld [smem:$0x3FAD]  }
0x29: {  	s4 =	sld [smem:$0x3FAF]  }
0x2a: {  	p0 =	seq.s32 s5, $0x0;
	s5 =	sld [smem:$0x3FB0]  }
0x2b: {  	s6 =	sld [smem:$0x3FB1]  }
0x2c: {  	s7 =	sld [smem:$0x3FB2]  }
0x2d: {  	s3 =	simm.s32 $0x108;
	s8 =	sld [smem:$0x3FB3]  }
0x2e: {  	s3 =	simm.s32 @!p0 $0x1082;
	s9 =	sld [smem:$0x3FB4]  }
0x2f: {  	lr =	sadd.s32 s0, s3;
	s0 =	sld [smem:$0x3FAB]  }
0x30: {  	s3 =	sld [smem:$0x3FAE]  }
0x31: {  	[smem:$0x3FB7] =	sst s10  }
0x32: {  	s10 =	sld [smem:$0x3FB5];
	_ =	sdelay $0x3  }
0x33: {  	p0 =	seq.s32 s10, $0x1;
	s10 =	sld [smem:$0x3FB7];
	_ =	sdelay $0x3  }
0x34: {  	[smem:$0x3FB7] =	sst s10  }
0x35: {  	s10 =	sld [smem:$0x3FB6];
	_ =	sdelay $0x3  }
0x36: {  	p1 =	seq.s32 s10, $0x1;
	s10 =	sld [smem:$0x3FB7];
	_ =	sdelay $0x3  }
0x37: {  	[smem:$0x3FB7] =	sst s10  }
0x38: {  	s10 =	sld [smem:$0x3FB8]  }
0x39: {  	_ = 	snop;
	(pc) =	sbr.ind lr, $3  }
0x3a: {  	_ = 	snop  }
0x3b: {  	_ = 	snop  }
0x3c: {  	p2 =	seq.s32 s10, $0x1;
	s10 =	sld [smem:$0x3FB7]  }
0x3d: {  	_ =	shalt  }
0x3e: {  	_ =	shalt  }
0x3f: {  	_ =	shalt  }
0x40: {  	_ =	shalt  }
0x41: {  	_ =	shalt  }
0x42: {  	_ =	shalt  }
0x43: {  	_ =	shalt  }
0x44: {  	_ =	shalt  }
0x45: {  	_ =	shalt  }
0x46: {  	_ =	shalt  }
0x47: {  	_ =	shalt  }
0x48: {  	_ =	shalt  }
0x49: {  	_ =	shalt  }
0x4a: {  	_ =	shalt  }
0x4b: {  	_ =	shalt  }
0x4c: {  	_ =	shalt  }
0x4d: {  	_ =	shalt  }
0x4e: {  	_ =	shalt  }
0x4f: {  	_ =	shalt  }
0x50: {  	_ =	shalt  }
0x51: {  	_ =	shalt  }
0x52: {  	_ =	shalt  }
0x53: {  	_ =	shalt  }
0x54: {  	_ =	shalt  }
0x55: {  	_ =	shalt  }
0x56: {  	_ =	shalt  }
0x57: {  	_ =	shalt  }
0x58: {  	_ =	shalt  }
0x59: {  	_ =	shalt  }
0x5a: {  	_ =	shalt  }
0x5b: {  	_ =	shalt  }
0x5c: {  	_ =	shalt  }
0x5d: {  	_ =	shalt  }
0x5e: {  	_ =	shalt  }
0x5f: {  	_ =	shalt  }
0x60: {  	_ =	shalt  }
0x61: {  	_ =	shalt  }
0x62: {  	_ =	shalt  }
0x63: {  	_ =	shalt  }
0x64: {  	_ =	shalt  }
0x65: {  	_ =	shalt  }
0x66: {  	_ =	shalt  }
0x67: {  	_ =	shalt  }
0x68: {  	_ =	shalt  }
0x69: {  	_ =	shalt  }
0x6a: {  	_ =	shalt  }
0x6b: {  	_ =	shalt  }
0x6c: {  	_ =	shalt  }
0x6d: {  	_ =	shalt  }
0x6e: {  	_ =	shalt  }
0x6f: {  	_ =	shalt  }
0x70: {  	_ =	shalt  }
0x71: {  	_ =	shalt  }
0x72: {  	_ =	shalt  }
0x73: {  	_ =	shalt  }
0x74: {  	_ =	shalt  }
0x75: {  	_ =	shalt  }
0x76: {  	_ =	shalt  }
0x77: {  	_ =	shalt  }
0x78: {  	_ =	shalt  }
0x79: {  	_ =	shalt  }
0x7a: {  	_ =	shalt  }
0x7b: {  	_ =	shalt  }
0x7c: {  	_ =	shalt  }
0x7d: {  	_ =	shalt  }
0x7e: {  	_ =	shalt  }
0x7f: {  	_ =	shalt  }
0x80: {  	_ =	shalt  }
0x81: {  	_ =	shalt  }
0x82: {  	_ =	shalt  }
0x83: {  	_ =	shalt  }
0x84: {  	_ =	shalt  }
0x85: {  	_ =	shalt  }
0x86: {  	_ =	shalt  }
0x87: {  	_ =	shalt  }
.Lfunc_end0:
.L_simem_size_0:
called_computation.1_lowered:
.L_overlay_start_0:
0x88: {  	s2 =	sld [smem:$0x3FD9]  }
0x89: {  	s3 =	sld [smem:$0x3FFE];
	_ =	sdelay $0x1  }
0x8a: {  	s1 =	srdreg.scid  }
0x8b: {  	s0 =	sand.u32 $0x1, s1  }
0x8c: {  	s17 =	sshll.u32 s0, $0xA;
	s2 =	sadd.s32 s3, s2  }
0x8d: {  	s2 =	sadd.s32 s2, s17  }
0x8e: {  	[smem:$0x3FC3] =	sst s2  }
0x8f: {  	_ = 	snop  }
0x90: {  	s2 =	sld [smem:$0x3FC7]  }
0x91: {  	s18 =	sld [smem:$0x3FD0];
	(tm) =	ssettm $0x1  }
0x92: {  	s4 =	sld [smem:$0x3FFB];
	_ =	sdelay $0x3  }
0x93: {  	_ =	strace s4  }
0x94: {  	s4 =	sld [smem:$0x3FFC];
	_ =	sdelay $0x3  }
0x95: {  	_ =	strace s4  }
0x96: {  	s4 =	sld [smem:$0x3FFD];
	_ =	sdelay $0x3  }
0x97: {  	_ =	strace s4  }
0x98: {  	_ =	strace $0x8FFFFFFF  }
0x99: {  	s19 =	sld [smem:$0x3FDB];
	_ =	sdelay $0x1  }
0x9a: {  	s5 =	simm.s32 $_scs_section_size  }
0x9b: {  	s6 =	simm.s32 $_size__tile_overlayer_lowered;
	s7 =	simm.s32 $_tile_overlayer_lowered  }
0x9c: {  	s22 =	simm.s32 $0x1BFF;
	s21 =	sshll.u32 s7, $0x1;
	s4 =	sadd.s32 s5, s19  }
0x9d: {  	s8 =	simm.s32 $0x0;
	s20 =	sshll.u32 s6, $0x1;
	s6 =	sadd.s32 s21, s4  }
0x9e: {  	[timem:s8], [sflag:s22] =	dma.local [hbm:s6], s20  }
0x9f: {  	_ =	swait.ge [sflag:s22], s20  }
0xa0: {  	s5 =	ssub.s32 $0x0, s20;
	[sflag:s22] =	ssyncset.done $0x0  }
0xa1: {  	[sflag:s22] =	ssyncadd.s32 s5;
	_ =	sdelay $0x1  }
0xa2: {  	s23 =	simm.s32 $0x1B8B  }
0xa3: {  	_ =	swait.ge [sflag:s23], $0x1  }
0xa4: {  	[sflag:s23] =	ssyncset.done $0x0  }
0xa5: {  	s25 =	simm.s32 $0x1B8E;
	s24 =	sld [smem:$0x3FFE];
	[sflag:s23] =	ssyncadd.s32 $0xFFFFFFFF  }
0xa6: {  	s26 =	simm.s32 $execute0_lowered;
	[smem:$0x3FD2] =	sst s25  }
0xa7: {  	s6 =	sshll.u32 s26, $0x1;
	_ =	strace $0x80000049;
	[dreg:$0x1] =	wrdreg $0xFFFFFFFF  }
0xa8: {  	s28 =	simm.s32 $_size_execute0_lowered;
	s4 =	sadd.s32 s4, s6;
	[dreg:$0x0] =	wrdreg $0x0  }
0xa9: {  	s6 =	sshll.u32 s28, $0x1;
	[dreg:$0x2] =	wrdreg s4  }
0xaa: {  	[dreg:$0x3] =	wrdreg s6  }
0xab: {  	[dreg:$0x4] =	wrdreg $0xC0  }
0xac: {  	_ =	task [dreg:s8], $0x5FFFF  }
0xad: {  	[dreg:$0x1] =	wrdreg $0xFFFFFFFF  }
0xae: {  	[dreg:$0x0] =	wrdreg $0x60  }
0xaf: {  	[dreg:$0x2] =	wrdreg s24  }
0xb0: {  	[dreg:$0x3] =	wrdreg s2  }
0xb1: {  	[dreg:$0x4] =	wrdreg s18  }
0xb2: {  	[dreg:$0x5] =	wrdreg $0x9  }
0xb3: {  	_ =	task.clear_ibuf [dreg:s8], $0x6FFFF;
	_ =	strace $0x90000049  }
0xb4: {  	s29 =	simm.s32 $0x9;
	_ =	strace $0x8000004B  }
0xb5: {  	_ =	swait.ge [sflag:s29], $0x1  }
0xb6: {  	[sflag:s29] =	ssyncadd.s32 $0xFFFFFFFF  }
0xb7: {  	_ =	strace $0x9000004B  }
0xb8: {  	_ =	sfence  }
0xb9: {  	s30 =	sld [smem:$0x0];
	_ =	sdelay $0x2  }
0xba: {  	s31 =	sshll.u32 s1, $0xD;
	s1 =	sshrl.u32 s1, $0x2  }
0xbb: {  	s3 =	sand.u32 $0x4000, s31;
	s1 =	sadd.s32 s1, s30  }
0xbc: {  	s0 =	sor.u32 s3, s0;
	s1 =	sshll.u32 s1, $0x11  }
0xbd: {  	s0 =	sor.u32 s1, s0  }
0xbe: {  	s0 =	sadd.s32 $0x8F2B, s0  }
0xbf: {  	[sflag:s0] =	ssyncadd.remote.s32 $0x1  }
0xc0: {  	_ =	sfence.sel $0xFFFF  }
0xc1: {  	[dreg:$0x0] =	wrdreg $0xFFFFFFFF;
	(pc) =	sbr.abs _section_cstart, $3  }
0xc2: {  	[dreg:$0x1] =	wrdreg $0xFFFFFFFF  }
0xc3: {  	_ =	task.clear_ibuf [dreg:s8], $0x2FFFF;
	_ =	strace $0x9FFFFFFF  }
0xc4: {  	(tm) =	ssettm $0x7FFFFFFF  }
0xc5: {  	_ =	shalt  }
tec
execute0_lowered:
.L_overlay_start_1:
0x0: {  	(tag) =	ssettag $0x1  }
0x1: {  	s3 =	rddreg [dreg:$0x0]  }
0x2: {  	s0 =	srdreg.scid;
	s6 =	rddreg [dreg:$0x1]  }
0x3: {  	s7 =	rddreg [dreg:$0x2];
	s1 =	stileid.u32  }
0x4: {  	s2 =	simm.s32 $0x0;
	s10 =	simm.s32 $0x2780;
	s4 =	sand.u32 $0x1, s0  }
0x5: {  	s11 =	simm.s32 $0x4F00;
	s12 =	simm.s32 $0x9E00;
	s5 =	sshll.u32 s4, $0x4  }
0x6: {  	s13 =	simm.s32 $0x7680;
	s14 =	simm.s32 $0x0;
	s5 =	sor.u32 s1, s5  }
0x7: {  	[smem:$0x7FF] =	sst s2;
	s4 =	ssub.s32 $0x2, s4;
	s8 =	smul.u32 $0x4E2, s5  }
0x8: {  	s0 =	rddreg [dreg:$0x3];
	_ =	strace $0x8000004A;
	s9 =	sshrl.u32 s4, $0x1  }
0x9: {  	s9 =	ssub.s32 s4, s9;
	s5 =	sadd.s32 s8, s3;
	s3 =	sadd.s32 $0x14E00, s3  }
0xa: {  	s6 =	sadd.s32 s6, s8;
	s7 =	sadd.s32 s7, s8;
	s8 =	smax.u32 s9, $0x1  }
0xb: {  	s9 =	simm.s32 $0x1;
	s4 =	sadd.s32 $0xB000, s5;
	s5 =	sadd.s32 $0x1200, s5  }
.LBB2_1:
0xc: {  	[tilespmem:s2], [sflag:$0x1] =	stream.linear.gather [hbm4b:s4+s2], $0x2710, $0x38;
	[tilespmem:$0xC580] =	vst v63  }
0xd: {  	_ =	swait.ge [sflag:s9], $0x2710  }
0xe: {  	[sflag:s9] =	ssyncset.done $0x0  }
0xf: {  	[sflag:s9] =	ssyncadd.s32 $0xFFFFD8F0  }
0x10: {  	[tilespmem:s10], [sflag:$0x1] =	stream.linear.gather [hbm4b:s5+s2], $0x2710, $0x38;
	[tilespmem:$0xC580] =	vst v63  }
0x11: {  	_ =	swait.ge [sflag:s9], $0x2710  }
0x12: {  	[sflag:s9] =	ssyncset.done $0x0  }
0x13: {  	[sflag:s9] =	ssyncadd.s32 $0xFFFFD8F0  }
0x14: {  	[tilespmem:s11], [sflag:$0x1] =	stream.linear.gather [hbm4b:s6+s2], $0x2710, $0x38;
	[tilespmem:$0xC580] =	vst v63  }
0x15: {  	_ =	swait.ge [sflag:s9], $0x2710  }
0x16: {  	[sflag:s9] =	ssyncset.done $0x0  }
0x17: {  	[sflag:s9] =	ssyncadd.s32 $0xFFFFD8F0  }
0x18: {  	[tilespmem:s12], [sflag:$0x1] =	stream.linear.gather [hbm4b:s3+s2], $0x2780, $0x38;
	[tilespmem:$0xC580] =	vst v63  }
0x19: {  	_ =	swait.ge [sflag:s9], $0x2780  }
0x1a: {  	[sflag:s9] =	ssyncset.done $0x0  }
0x1b: {  	s15 =	simm.s32 $0x10;
	[sflag:s9] =	ssyncadd.s32 $0xFFFFD880  }
0x1c: {  	v3 =	vld [tilespmem:s15+$0x0]  }
0x1d: {  	s16 =	simm.s32 $0x2790  }
0x1e: {  	v4 =	vld [tilespmem:s16+$0x0];
	_ =	sdelay $0x1  }
0x1f: {  	v7 =	vld [tilespmem:s15+$0xFFFFFFF0]  }
0x20: {  	s30 =	simm.s32 $0x4F10;
	v8 =	vld [tilespmem:s16+$0xFFFFFFF0]  }
0x21: {  	s31 =	simm.s32 $0x30;
	v5 =	vld [tilespmem:s30+$0x0]  }
0x22: {  	v1 =	vld [tilespmem:s31+$0x0]  }
0x23: {  	v9 =	vld.idx.msk [tilespmem:v3+s12+$0x0], $0xffff  }
0x24: {  	v2 =	vld [tilespmem:s31+$0xFFFFFFF0]  }
0x25: {  	s16 =	simm.s32 $0x27B0;
	v10 =	vld.idx.msk [tilespmem:v4+s12+$0x0], $0xffff  }
0x26: {  	v0 =	vld [tilespmem:s16+$0x0];
	vm0 =	veq.s32 v3, v4  }
0x27: {  	v4 =	vld [tilespmem:s16+$0xFFFFFFF0];
	v3 =	vsel vm0, $0x0, v5  }
0x28: {  	v6 =	vld [tilespmem:s30+$0xFFFFFFF0];
	v3 =	vmul.f32 v3, v9  }
0x29: {  	s17 =	simm.s32 $0x4F30;
	v5 =	vld.idx.msk [tilespmem:v7+s12+$0x0], $0xffff  }
0x2a: {  	vm0 =	veq.s32 v7, v8;
	v7 =	vld [tilespmem:s17+$0x0];
	v9 =	vmul.f32 v10, v3  }
0x2b: {  	s15 =	simm.s32 $0x7690;
	v3 =	vld.idx.msk [tilespmem:v8+s12+$0x0], $0xffff  }
0x2c: {  	s18 =	simm.s32 $0x20;
	s19 =	simm.s32 $0x50;
	vm0 =	vmmov vm0;
	vm1 =	veq.s32 v2, v4;
	v8 =	vld.idx.msk [tilespmem:v1+s12+$0x0], $0xffff;
	[tilespmem:s15+$0x0] =	vst v9  }
.LBB2_2:
0x2d: {  	v9 =	vld [tilespmem:s19+$0x0];
	v6 =	vsel vm0, $0x0, v6;
	vm0 =	vmmov vm1  }
0x2e: {  	s18 =	sadd.s32 $0x20, s18;
	v10 =	vld.idx.msk [tilespmem:v0+s12+$0x0], $0xffff  }
0x2f: {  	s16 =	sadd.s32 $0x20, s16;
	p0 =	slt.u32 s18, $0x26E0;
	v5 =	vmul.f32 v6, v5;
	v11 =	vld [tilespmem:s19+$0xFFFFFFF0]  }
0x30: {  	vm1 =	veq.s32 v1, v0;
	v0 =	vld [tilespmem:s16+$0x0]  }
0x31: {  	v13 =	vsel vm1, $0x0, v7;
	v3 =	vmul.f32 v3, v5;
	v12 =	vld [tilespmem:s16+$0xFFFFFFF0]  }
.Ltmp0:
0x32: {  	v7 =	vmul.f32 v13, v8;
	v6 =	vld [tilespmem:s17+$0xFFFFFFF0];
	v1 =	vmov v9;
	(pc) =	sbr.rel @p0 .LBB2_2-.Ltmp0, $4  }
0x33: {  	v5 =	vld.idx.msk [tilespmem:v2+s12+$0x0], $0xffff;
	[tilespmem:s15+$0xFFFFFFF0] =	vst v3  }
0x34: {  	s17 =	sadd.s32 $0x20, s17;
	v10 =	vmul.f32 v10, v7;
	v3 =	vld.idx.msk [tilespmem:v4+s12+$0x0], $0xffff;
	v2 =	vmov v11  }
0x35: {  	s15 =	sadd.s32 $0x20, s15;
	v7 =	vld [tilespmem:s17+$0x0]  }
0x36: {  	s19 =	sadd.s32 $0x20, s19;
	vm1 =	veq.s32 v2, v12;
	v8 =	vld.idx.msk [tilespmem:v9+s12+$0x0], $0xffff;
	[tilespmem:s15+$0x0] =	vst v10;
	v4 =	vmov v12  }
0x37: {  	_ =	sdelay $0x2  }
0x38: {  	v9 =	vld [tilespmem:s17+$0xFFFFFFF0]  }
0x39: {  	v2 =	vld.idx.msk [tilespmem:v2+s12+$0x0], $0xffff  }
0x3a: {  	v10 =	vld.idx.msk [tilespmem:v0+s12+$0x0], $0xffff  }
0x3b: {  	v6 =	vsel vm0, $0x0, v6;
	vm14 =	veq.s32 v1, v0;
	v57 =	vld.idx.msk [tilespmem:v4+s12+$0x0], $0xffff  }
0x3c: {  	vm1 =	vmmov vm1;
	v58 =	vmul.f32 v6, v5;
	v59 =	vsel vm14, $0x0, v7  }
0x3d: {  	v4 =	vmul.f32 v59, v8;
	v60 =	vsel vm1, $0x0, v9  }
0x3e: {  	v1 =	vmul.f32 v3, v58;
	v2 =	vmul.f32 v60, v2  }
0x3f: {  	v61 =	vmul.f32 v10, v4  }
0x40: {  	s31 =	sadd.s32 $0x20, s15;
	[tilespmem:s15+$0xFFFFFFF0] =	vst v1;
	v0 =	vmul.f32 v57, v2  }
0x41: {  	[tilespmem:s31+$0x0] =	vst v61  }
0x42: {  	[tilespmem:s31+$0xFFFFFFF0] =	vst v0  }
0x43: {  	v0 =	vld [tilespmem:$0x2700];
	_ =	sdelay $0x1  }
0x44: {  	v1 =	vld [tilespmem:$0x4E80];
	_ =	sdelay $0x4  }
0x45: {  	v62 =	vld [tilespmem:$0x7600]  }
0x46: {  	v3 =	vld.idx.msk [tilespmem:v0+s12+$0x0], $0xffff;
	_ =	sdelay $0x1  }
0x47: {  	v63 =	vld.idx.msk [tilespmem:v1+s12+$0x0], $0xffff  }
0x48: {  	vm15 =	veq.s32 v0, v1  }
0x49: {  	v0 =	vsel vm15, $0x0, v62  }
0x4a: {  	v0 =	vmul.f32 v0, v3;
	_ =	sdelay $0x1  }
0x4b: {  	s14 =	sadd.s32 $0x1, s14;
	v0 =	vmul.f32 v63, v0  }
0x4c: {  	p0 =	sne.s32 s14, s8  }
.Ltmp1:
0x4d: {  	[tilespmem:$0x9D80] =	vst v0;
	(pc) =	sbr.rel @p0 .LBB2_1-.Ltmp1, $4  }
0x4e: {  	[hbm4b:s7+s2] =	stream.linear.scatter [tilespmem:s13], [sflag:$0x1], $0x2710, $0x38;
	[tilespmem:$0xC580] =	vst v63  }
0x4f: {  	_ =	swait.ge [sflag:s9], $0x2710  }
0x50: {  	[sflag:s9] =	ssyncset.done $0x0  }
0x51: {  	[sflag:s9] =	ssyncadd.s32 $0xFFFFD8F0  }
0x52: {  	_ =	sfence.sel $0x180000  }
0x53: {  	[bflag:$0x0] =	sbarrier.arrive $0xFFFF  }
0x54: {  	p0 =	sne.s32 s1, $0x0;
	_ =	strace $0x9000004A  }
0x55: {  	s0 =	sadd.s32 @!p0 $0x100000, s0;
	[bflag:$0x2] =	sbarrier.arrive $0xFFFF  }
0x56: {  	[sflag:s0] =	ssyncadd.tile.s32 @!p0 $0x1;
	_ =	shalt  }
.Lfunc_end2:
_tile_overlayer_lowered:
.L_overlay_start_2:
0x57: {  	(tag) =	ssettag $0x2  }
0x58: {  	s0 =	rddreg [dreg:$0x0];
	s2 =	stileid.u32  }
0x59: {  	s1 =	rddreg [dreg:$0x1];
	p0 =	sne.s32 s2, $0x0  }
0x5a: {  	s3 =	rddreg [dreg:$0x2];
	[bflag:$0x3] =	sbarrier.arrive $0xFFFF;
	s2 =	simm.s32 @!p0 $0x1C01  }
0x5b: {  	[timem:s3], [sflag:s2] =	dma.local @!p0 [hbm:s0], s1  }
0x5c: {  	s0 =	simm.s32 @!p0 $0x1  }
0x5d: {  	_ =	swait.ge @!p0 [sflag:s0], s1  }
0x5e: {  	s1 =	ssub.s32 @!p0 $0x0, s1;
	[sflag:s0] =	ssyncset.done @!p0 $0x0  }
0x5f: {  	[sflag:s0] =	ssyncadd.s32 @!p0 s1  }
0x60: {  	[bflag:$0x3] =	sbarrier.arrive $0xFFFF  }
0x61: {  	_ =	shalt  }

</sc_bundles>
